<compile_context>
chip_gen: v7x
topology: tpu7x:2x2x1
jax: 0.10.2.dev20260603
libtpu: 0.0.44.dev20260713+nightly
codegen_flags: <defaults>
</compile_context>

<pallas_src>
import functools

import jax
import jax.numpy as jnp
from jax import lax
from jax.experimental import pallas as pl
from jax.experimental.pallas import tpu as pltpu
from jax.experimental.pallas import tpu_sc as plsc

_GROUPS = [(7, 19), (19, 21), (21, 25), (25, 27), (27, 29), (29, 31),
           (31, 34), (34, 38), (38, 50)]
_BINS = 50
_ALPHA = 0.5
_B = 16384
_BLK = 2048
_NSTEP = _B // _BLK

_NC, _NS, _L = 2, 16, 16
_NW = _NC * _NS
_CHUNK = _B // _NW
_MMCHUNK = _B // _NS
_NGRP = _CHUNK // _L
_QPAD = 1024
_CNT = _QPAD * _L


def _seg_matrix():
    j7 = lax.broadcasted_iota(jnp.int32, (43, 9), 0) + 7
    gid = sum((j7 >= s).astype(jnp.int32) for s, _ in _GROUPS) - 1
    g = lax.broadcasted_iota(jnp.int32, (43, 9), 1)
    return (gid == g).astype(jnp.float32)


def _tc_stats_body(dec_ref, true_ref, mse_ref, ce_ref):
    pid = pl.program_id(0)
    dec = dec_ref[...]
    tru = true_ref[...]

    d = dec[:, 0:7] - tru[:, 0:7]
    mse_part = jnp.sum(d * d)
    m = jnp.max(dec, axis=1, keepdims=True)
    ex = jnp.exp(dec - m)
    seg = jnp.dot(ex[:, 7:50], _seg_matrix(),
                  preferred_element_type=jnp.float32)
    ce_part = (jnp.sum(jnp.log(seg)) + 9.0 * jnp.sum(m)
               - jnp.sum(dec[:, 7:50] * tru[:, 7:50]))

    @pl.when(pid == 0)
    def _():
        mse_ref[...] = jnp.zeros((1, 128), jnp.float32)
        ce_ref[...] = jnp.zeros((1, 128), jnp.float32)

    mse_ref[...] += jnp.full((1, 128), mse_part)
    ce_ref[...] += jnp.full((1, 128), ce_part)


_tc_stats = pl.pallas_call(
    _tc_stats_body,
    grid=(_NSTEP,),
    in_specs=[
        pl.BlockSpec((_BLK, 50), lambda i: (i, 0)),
        pl.BlockSpec((_BLK, 50), lambda i: (i, 0)),
    ],
    out_specs=[
        pl.BlockSpec((1, 128), lambda i: (0, 0)),
        pl.BlockSpec((1, 128), lambda i: (0, 0)),
    ],
    out_shape=[jax.ShapeDtypeStruct((1, 128), jnp.float32)] * 2,
)


def _sc_hist_body(enc_hbm, lab_hbm, out_hbm,
                  enc_v, lab_v, m500_v, lo_v, sc_v, stage_v, all_v,
                  cnt_v, outl_v, shared, sem_enc, sem_lab):
    cid = lax.axis_index("c")
    sid = lax.axis_index("s")
    wid = sid * _NC + cid
    h_enc = pltpu.async_copy(
        enc_hbm.at[pl.ds(sid * (_MMCHUNK * 10), _MMCHUNK * 10)], enc_v, sem_enc)
    h_lab = pltpu.async_copy(
        lab_hbm.at[pl.ds(wid * (_CHUNK * 3), _CHUNK * 3)], lab_v, sem_lab)

    iota = lax.iota(jnp.int32, _L)
    ones16 = jnp.ones((_L,), jnp.float32)
    pinf = jnp.full((_L,), jnp.inf, jnp.float32)
    ninf = jnp.full((_L,), -jnp.inf, jnp.float32)

    zeros16 = jnp.zeros((_L,), jnp.float32)

    @plsc.parallel_loop(0, _CNT // _L, unroll=8)
    def _zero(i):
        cnt_v[pl.ds(i * _L, _L)] = zeros16

    h_enc.wait()

    @plsc.parallel_loop(0, _MMCHUNK // _L, unroll=4,
                        carry=((pinf,) * 10, (ninf,) * 10))
    def _mm(j, carry):
        mins, maxs = carry
        row = j * _L + iota
        new_mins, new_maxs = [], []
        for c in range(10):
            x = plsc.load_gather(enc_v, [row * 10 + c])
            new_mins.append(jnp.minimum(mins[c], x))
            new_maxs.append(jnp.maximum(maxs[c], x))
        return (tuple(new_mins), tuple(new_maxs))

    mins, maxs = _mm
    for c in range(10):
        stage_v[pl.ds(c * _L, _L)] = mins[c]
        stage_v[pl.ds(160 + c * _L, _L)] = maxs[c]
    pltpu.sync_copy(stage_v, shared.at[pl.ds(sid * 320, 320)])
    plsc.subcore_barrier()
    pltpu.sync_copy(shared, all_v)

    def comb_body(s, carry):
        mins2, maxs2 = carry
        new_mins, new_maxs = [], []
        for c in range(10):
            new_mins.append(jnp.minimum(mins2[c], all_v[pl.ds(s * 320 + c * _L, _L)]))
            new_maxs.append(jnp.maximum(maxs2[c], all_v[pl.ds(s * 320 + 160 + c * _L, _L)]))
        return (tuple(new_mins), tuple(new_maxs))

    gmins, gmaxs = lax.fori_loop(0, _NS, comb_body, ((pinf,) * 10, (ninf,) * 10))
    for c in range(10):
        lo_c = jnp.min(gmins[c])
        hi_c = jnp.max(gmaxs[c])
        sc_full = jnp.full((_L,), jnp.float32(_BINS)) / jnp.full((_L,), hi_c - lo_c)
        cfull = jnp.full((_L,), c, jnp.int32)
        plsc.store_scatter(lo_v, [cfull], jnp.full((_L,), lo_c))
        plsc.store_scatter(sc_v, [cfull], sc_full)

    h_lab.wait()

    @plsc.parallel_loop(0, _NGRP, unroll=4)
    def _mlab(j):
        row = j * _L + iota
        mm = plsc.load_gather(lab_v, [row * 3 + 1]).astype(jnp.int32)
        m500_v[pl.ds(j * _L, _L)] = mm * (500 * _L) + iota

    def col_body(c, carry):
        cfull = jnp.full((_L,), c, jnp.int32)
        lo_c = plsc.load_gather(lo_v, [cfull])
        sc_c = plsc.load_gather(sc_v, [cfull])
        c50x = c * _BINS * _L

        @plsc.parallel_loop(0, _NGRP, unroll=4)
        def _grp(j):
            row = cid * _CHUNK + j * _L + iota
            x = plsc.load_gather(enc_v, [row * 10 + cfull])
            mq = m500_v[pl.ds(j * _L, _L)]
            b = jnp.clip(((x - lo_c) * sc_c).astype(jnp.int32), 0, _BINS - 1)
            q = mq + c50x + b * _L
            plsc.addupdate_scatter(cnt_v, [q], ones16)

        return carry

    lax.fori_loop(0, 10, col_body, 0)

    @plsc.parallel_loop(0, _QPAD // _L, unroll=2)
    def _fold(blk):
        base = blk * (_L * _L) + iota * _L
        acc = jnp.zeros((_L,), jnp.float32)
        for k in range(_L):
            acc = acc + plsc.load_gather(cnt_v, [base + ((iota + k) & (_L - 1))])
        outl_v[pl.ds(blk * _L, _L)] = acc

    pltpu.sync_copy(outl_v, out_hbm.at[wid])


@functools.cache
def _sc_hist_kernel():
    return pl.kernel(
        _sc_hist_body,
        out_type=jax.ShapeDtypeStruct((_NW, _QPAD), jnp.float32),
        mesh=plsc.VectorSubcoreMesh(core_axis_name="c", subcore_axis_name="s",
                                    num_cores=_NC, num_subcores=_NS),
        compiler_params=pltpu.CompilerParams(needs_layout_passes=False),
        scratch_types=[
            pltpu.VMEM((_MMCHUNK * 10,), jnp.float32),
            pltpu.VMEM((_CHUNK * 3,), jnp.float32),
            pltpu.VMEM((_CHUNK,), jnp.int32),
            pltpu.VMEM((_L,), jnp.float32),
            pltpu.VMEM((_L,), jnp.float32),
            pltpu.VMEM((320,), jnp.float32),
            pltpu.VMEM((_NS * 320,), jnp.float32),
            pltpu.VMEM((_CNT,), jnp.float32),
            pltpu.VMEM((_QPAD,), jnp.float32),
            pltpu.VMEM_SHARED((_NS * 320,), jnp.float32),
            pltpu.SemaphoreType.DMA,
            pltpu.SemaphoreType.DMA,
        ],
    )


def _tc_final_body(cnt_ref, mse_ref, ce_ref, o0_ref, o1_ref, o2_ref, o3_ref):
    cnt = cnt_ref[...]
    t = jnp.sum(cnt, axis=0, keepdims=True)
    s_hist = t[:, 0:500]
    m_hist = t[:, 500:1000]
    n_s = jnp.sum(s_hist[:, 0:_BINS])
    n_m = jnp.sum(m_hist[:, 0:_BINS])
    p = s_hist / n_s
    q = m_hist / n_m
    kld = jnp.sum(jnp.where(p > 0, p * jnp.log(p / (q + 1e-10)), 0.0))
    mse_l = jnp.max(mse_ref[...]) / _B
    ce_l = jnp.max(ce_ref[...]) / _B
    kld_half = _ALPHA * kld
    multi = (1.0 - _ALPHA) * (mse_l + ce_l) + kld_half
    o0_ref[...] = jnp.full((1, 128), multi)
    o1_ref[...] = jnp.full((1, 128), mse_l)
    o2_ref[...] = jnp.full((1, 128), ce_l)
    o3_ref[...] = jnp.full((1, 128), kld_half)


_tc_final = pl.pallas_call(
    _tc_final_body,
    out_shape=[jax.ShapeDtypeStruct((1, 128), jnp.float32)] * 4,
)


def kernel(data_encoded, data_decoded, data_true, label_true, batch_size):
    mse_s, ce_s = _tc_stats(data_decoded, data_true)
    counts = _sc_hist_kernel()(data_encoded.reshape(-1), label_true.reshape(-1))
    o0, o1, o2, o3 = _tc_final(counts, mse_s, ce_s)
    return (o0[0, 0], o1[0, 0], o2[0, 0], o3[0, 0])

# --- scband reference (transcript-rebuilt; emitter-appended) ---
"""Pipeline reference for scband-multi-loss-kld-6579889897515 (READ-ONLY COPY).

The authoritative reference and input builder live on the scoring server;
editing this copy changes nothing except your own understanding.
"""

import jax, jax.numpy as jnp
import numpy as np

BINS = 50
RATIO_KLD = 0.5
GROUPS = [(7, 19), (19, 21), (21, 25), (25, 27), (27, 29), (29, 31), (31, 34), (34, 38), (38, 50)]


def KL_divergence(p, q):
    return jnp.sum(jnp.where(p > 0, p * jnp.log(p / (q + 1e-10)), 0.0))


def cross_entropy(logits, targets):
    logp = jax.nn.log_softmax(logits, axis=-1)
    return -jnp.mean(jnp.take_along_axis(logp, targets[:, None], axis=1))


def mse(a, b):
    return jnp.mean((a - b) ** 2)


def setup_inputs(seed: int = 0):
    key = jax.random.key(seed)
    ks = jax.random.split(key, 16)
    B = 16384
    data_encoded = jax.random.normal(ks[0], (B, 10), dtype=jnp.float32)
    data_decoded = jax.random.normal(ks[1], (B, 50), dtype=jnp.float32)
    parts = [jax.random.normal(ks[2], (B, 7), dtype=jnp.float32)]
    for i, (s, e) in enumerate(GROUPS):
        n = e - s
        idx = jax.random.randint(ks[3 + i], (B,), 0, n)
        parts.append(jax.nn.one_hot(idx, n, dtype=jnp.float32))
    data_true = jnp.concatenate(parts, axis=1)
    marital = jax.random.randint(ks[13], (B,), 0, 2).astype(jnp.float32)
    other = jax.random.randint(ks[14], (B, 2), 0, 2).astype(jnp.float32)
    label_true = jnp.concatenate([other[:, :1], marital[:, None], other[:, 1:]], axis=1)
    return {"data_encoded": data_encoded, "data_decoded": data_decoded, "data_true": data_true, "label_true": label_true, "batch_size": B}


def reference(data_encoded, data_decoded, data_true, label_true, batch_size):
    numerical_loss = mse(data_decoded[:, 0:7], data_true[:, 0:7])
    ce_Loss = 0.0
    for (s, e) in GROUPS:
        tgt = jnp.argmax(data_true[:, s:e], axis=1)
        ce_Loss = ce_Loss + cross_entropy(data_decoded[:, s:e], tgt)
    encoded_combined = jnp.concatenate((data_encoded, label_true), axis=1)
    min_t = jnp.min(encoded_combined, axis=0)
    max_t = jnp.max(encoded_combined, axis=0)
    single_mask = encoded_combined[:, 11] == 0
    married_mask = encoded_combined[:, 11] == 1
    single_w = single_mask.astype(jnp.float32)
    married_w = married_mask.astype(jnp.float32)
    n_s = jnp.sum(single_w)
    n_m = jnp.sum(married_w)
    s_arr, m_arr = [], []
    for i in range(10):
        lo = min_t[i]
        hi = max_t[i]
        sc, _ = jnp.histogram(encoded_combined[:, i], bins=BINS, range=(lo, hi), weights=single_w)
        mc, _ = jnp.histogram(encoded_combined[:, i], bins=BINS, range=(lo, hi), weights=married_w)
        s_arr.append(sc.astype(jnp.float32) / n_s)
        m_arr.append(mc.astype(jnp.float32) / n_m)
    KLD = KL_divergence(jnp.stack(s_arr), jnp.stack(m_arr))
    mse_Loss = numerical_loss * 7
    alpha = RATIO_KLD
    Multi_loss = (1 - alpha) * (mse_Loss + ce_Loss) + alpha * KLD
    return (Multi_loss, mse_Loss, ce_Loss, alpha * KLD)

if __name__ == "__main__":
    import jax
    _d = setup_inputs()
    print(jax.jit(kernel)(*tuple(_d.values())))

</pallas_src>

<mosaic_0001>
#map = affine_map<(d0, d1) -> (0)>
#map1 = affine_map<(d0, d1) -> (0, 0)>
module attributes {stable_mosaic.version = 14 : i64} {
  func.func @_sc_hist_body(%arg0: i32, %arg1: i32, %arg2: memref<163840xf32, #tpu.memory_space<hbm>>, %arg3: memref<49152xf32, #tpu.memory_space<hbm>>, %arg4: memref<32x1024xf32, #tpu.memory_space<hbm>>, %arg5: memref<10240xf32, #tpu.memory_space<vmem>>, %arg6: memref<1536xf32, #tpu.memory_space<vmem>>, %arg7: memref<512xi32, #tpu.memory_space<vmem>>, %arg8: memref<16xf32, #tpu.memory_space<vmem>>, %arg9: memref<16xf32, #tpu.memory_space<vmem>>, %arg10: memref<320xf32, #tpu.memory_space<vmem>>, %arg11: memref<5120xf32, #tpu.memory_space<vmem>>, %arg12: memref<16384xf32, #tpu.memory_space<vmem>>, %arg13: memref<1024xf32, #tpu.memory_space<vmem>>, %arg14: memref<5120xf32, #tpu.memory_space<vmem_shared>>, %arg15: memref<!tpu.dma_semaphore, #tpu.memory_space<semaphore_mem>>, %arg16: memref<!tpu.dma_semaphore, #tpu.memory_space<semaphore_mem>>) attributes {dimension_semantics = [#tpu.dimension_semantics<core_parallel>, #tpu.dimension_semantics<subcore_parallel>], iteration_bounds = array<i64: 2, 16>, scalar_prefetch = 0 : i64, scratch_operands = 12 : i64, tpu.core_type = #tpu.core_type<sc_vector_subcore>, window_params = [{transform_indices = #map}, {transform_indices = #map}, {transform_indices = #map1}]} {
    %mul3A = arith.constant 2 : i32
    %mul3A_0 = arith.muli %arg1, %mul3A : i32
    %add3A = arith.addi %mul3A_0, %arg0 : i32
    %mul3A_1 = arith.constant 10240 : i32
    %mul3A_2 = arith.muli %arg1, %mul3A_1 : i32
    %dma_start3A = tpu.memref_slice %arg2[%mul3A_2] : memref<163840xf32, #tpu.memory_space<hbm>> -> memref<10240xf32, #tpu.memory_space<hbm>>
    %dma_start3A_3 = tpu.memref_slice %arg2[%mul3A_2] : memref<163840xf32, #tpu.memory_space<hbm>> -> memref<10240xf32, #tpu.memory_space<hbm>>
    tpu.enqueue_dma source(%dma_start3A_3 : memref<10240xf32, #tpu.memory_space<hbm>>) target(%arg5 : memref<10240xf32, #tpu.memory_space<vmem>>) target_semaphore(%arg15 : memref<!tpu.dma_semaphore, #tpu.memory_space<semaphore_mem>>)
    %mul3A_4 = arith.constant 1536 : i32
    %mul3A_5 = arith.muli %add3A, %mul3A_4 : i32
    %dma_start3A_6 = tpu.memref_slice %arg3[%mul3A_5] : memref<49152xf32, #tpu.memory_space<hbm>> -> memref<1536xf32, #tpu.memory_space<hbm>>
    %dma_start3A_7 = tpu.memref_slice %arg3[%mul3A_5] : memref<49152xf32, #tpu.memory_space<hbm>> -> memref<1536xf32, #tpu.memory_space<hbm>>
    tpu.enqueue_dma source(%dma_start3A_7 : memref<1536xf32, #tpu.memory_space<hbm>>) target(%arg6 : memref<1536xf32, #tpu.memory_space<vmem>>) target_semaphore(%arg16 : memref<!tpu.dma_semaphore, #tpu.memory_space<semaphore_mem>>)
    %iota3A = tpu.iota {dimensions = array<i32: 0>} : vector<16xi32>
    %broadcast_in_dim3A = arith.constant 1.000000e+00 : f32
    %broadcast_in_dim3A_8 = vector.broadcast %broadcast_in_dim3A : f32 to vector<16xf32>
    %broadcast_in_dim3A_9 = arith.constant 0x7F800000 : f32
    %broadcast_in_dim3A_10 = vector.broadcast %broadcast_in_dim3A_9 : f32 to vector<16xf32>
    %broadcast_in_dim3A_11 = arith.constant 0xFF800000 : f32
    %broadcast_in_dim3A_12 = vector.broadcast %broadcast_in_dim3A_11 : f32 to vector<16xf32>
    %broadcast_in_dim3A_13 = arith.constant 0.000000e+00 : f32
    %broadcast_in_dim3A_14 = vector.broadcast %broadcast_in_dim3A_13 : f32 to vector<16xf32>
    %parallel_loop3A = arith.constant 0 : i32
    %parallel_loop3A_15 = arith.constant 1024 : i32
    %parallel_loop3A_16 = arith.constant 1 : i32
    scf.for %parallel_loop3A_238 = %parallel_loop3A to %parallel_loop3A_15 step %parallel_loop3A_16  : i32 {
      %parallel_loop3A_239 = arith.constant 16 : i32
      %parallel_loop3A_240 = arith.muli %parallel_loop3A_238, %parallel_loop3A_239 : i32
      %parallel_loop3A_241 = arith.index_cast %parallel_loop3A_240 : i32 to index
      %parallel_loop3A_242 = tpu.vector_load %arg12[%parallel_loop3A_241] {strides = array<i32>} : memref<16384xf32, #tpu.memory_space<vmem>>, vector<16xf32>,
      tpu.vector_store %arg12[%parallel_loop3A_241], %broadcast_in_dim3A_14 {strides = array<i32>} : memref<16384xf32, #tpu.memory_space<vmem>>, vector<16xf32>,
    } {sc.loop_unroll_factor = 8 : i64, sc.parallel_access}
    %dma_wait3A = tpu.memref_slice %arg2[%mul3A_2] : memref<163840xf32, #tpu.memory_space<hbm>> -> memref<10240xf32, #tpu.memory_space<hbm>>
    %dma_wait3A_17 = tpu.memref_slice %arg2[%mul3A_2] : memref<163840xf32, #tpu.memory_space<hbm>> -> memref<10240xf32, #tpu.memory_space<hbm>>
    tpu.wait_dma2 semaphore(%arg15 : memref<!tpu.dma_semaphore, #tpu.memory_space<semaphore_mem>>) src(%dma_wait3A_17 : memref<10240xf32, #tpu.memory_space<hbm>>) dst(%arg5 : memref<10240xf32, #tpu.memory_space<vmem>>)
    %parallel_loop3A_18 = arith.constant 0 : i32
    %parallel_loop3A_19 = arith.constant 64 : i32
    %parallel_loop3A_20 = arith.constant 1 : i32
    %parallel_loop3A_21:20 = scf.for %parallel_loop3A_238 = %parallel_loop3A_18 to %parallel_loop3A_19 step %parallel_loop3A_20 iter_args(%parallel_loop3A_239 = %broadcast_in_dim3A_10, %parallel_loop3A_240 = %broadcast_in_dim3A_10, %parallel_loop3A_241 = %broadcast_in_dim3A_10, %parallel_loop3A_242 = %broadcast_in_dim3A_10, %parallel_loop3A_243 = %broadcast_in_dim3A_10, %parallel_loop3A_244 = %broadcast_in_dim3A_10, %parallel_loop3A_245 = %broadcast_in_dim3A_10, %parallel_loop3A_246 = %broadcast_in_dim3A_10, %parallel_loop3A_247 = %broadcast_in_dim3A_10, %parallel_loop3A_248 = %broadcast_in_dim3A_10, %parallel_loop3A_249 = %broadcast_in_dim3A_12, %parallel_loop3A_250 = %broadcast_in_dim3A_12, %parallel_loop3A_251 = %broadcast_in_dim3A_12, %parallel_loop3A_252 = %broadcast_in_dim3A_12, %parallel_loop3A_253 = %broadcast_in_dim3A_12, %parallel_loop3A_254 = %broadcast_in_dim3A_12, %parallel_loop3A_255 = %broadcast_in_dim3A_12, %parallel_loop3A_256 = %broadcast_in_dim3A_12, %parallel_loop3A_257 = %broadcast_in_dim3A_12, %parallel_loop3A_258 = %broadcast_in_dim3A_12) -> (vector<16xf32>, vector<16xf32>, vector<16xf32>, vector<16xf32>, vector<16xf32>, vector<16xf32>, vector<16xf32>, vector<16xf32>, vector<16xf32>, vector<16xf32>, vector<16xf32>, vector<16xf32>, vector<16xf32>, vector<16xf32>, vector<16xf32>, vector<16xf32>, vector<16xf32>, vector<16xf32>, vector<16xf32>, vector<16xf32>)  : i32 {
      %parallel_loop3A_259 = arith.constant 16 : i32
      %parallel_loop3A_260 = arith.muli %parallel_loop3A_238, %parallel_loop3A_259 : i32
      %parallel_loop3A_261 = vector.broadcast %parallel_loop3A_260 : i32 to vector<16xi32>
      %parallel_loop3A_262 = arith.addi %parallel_loop3A_261, %iota3A : vector<16xi32>
      %parallel_loop3A_263 = arith.constant 10 : i32
      %parallel_loop3A_264 = vector.broadcast %parallel_loop3A_263 : i32 to vector<16xi32>
      %parallel_loop3A_265 = arith.muli %parallel_loop3A_262, %parallel_loop3A_264 : vector<16xi32>
      %parallel_loop3A_266 = arith.constant 0 : i32
      %parallel_loop3A_267 = vector.broadcast %parallel_loop3A_266 : i32 to vector<16xi32>
      %parallel_loop3A_268 = arith.addi %parallel_loop3A_265, %parallel_loop3A_267 : vector<16xi32>
      %parallel_loop3A_269 = tpu.vector_load_idx %arg5[%parallel_loop3A_268] : memref<10240xf32, #tpu.memory_space<vmem>>[vector<16xi32>], vector<16xf32>,
      %parallel_loop3A_270 = arith.minimumf %parallel_loop3A_239, %parallel_loop3A_269 : vector<16xf32>
      %parallel_loop3A_271 = arith.maximumf %parallel_loop3A_249, %parallel_loop3A_269 : vector<16xf32>
      %parallel_loop3A_272 = arith.constant 10 : i32
      %parallel_loop3A_273 = vector.broadcast %parallel_loop3A_272 : i32 to vector<16xi32>
      %parallel_loop3A_274 = arith.muli %parallel_loop3A_262, %parallel_loop3A_273 : vector<16xi32>
      %parallel_loop3A_275 = arith.constant 1 : i32
      %parallel_loop3A_276 = vector.broadcast %parallel_loop3A_275 : i32 to vector<16xi32>
      %parallel_loop3A_277 = arith.addi %parallel_loop3A_274, %parallel_loop3A_276 : vector<16xi32>
      %parallel_loop3A_278 = tpu.vector_load_idx %arg5[%parallel_loop3A_277] : memref<10240xf32, #tpu.memory_space<vmem>>[vector<16xi32>], vector<16xf32>,
      %parallel_loop3A_279 = arith.minimumf %parallel_loop3A_240, %parallel_loop3A_278 : vector<16xf32>
      %parallel_loop3A_280 = arith.maximumf %parallel_loop3A_250, %parallel_loop3A_278 : vector<16xf32>
      %parallel_loop3A_281 = arith.constant 10 : i32
      %parallel_loop3A_282 = vector.broadcast %parallel_loop3A_281 : i32 to vector<16xi32>
      %parallel_loop3A_283 = arith.muli %parallel_loop3A_262, %parallel_loop3A_282 : vector<16xi32>
      %parallel_loop3A_284 = arith.constant 2 : i32
      %parallel_loop3A_285 = vector.broadcast %parallel_loop3A_284 : i32 to vector<16xi32>
      %parallel_loop3A_286 = arith.addi %parallel_loop3A_283, %parallel_loop3A_285 : vector<16xi32>
      %parallel_loop3A_287 = tpu.vector_load_idx %arg5[%parallel_loop3A_286] : memref<10240xf32, #tpu.memory_space<vmem>>[vector<16xi32>], vector<16xf32>,
      %parallel_loop3A_288 = arith.minimumf %parallel_loop3A_241, %parallel_loop3A_287 : vector<16xf32>
      %parallel_loop3A_289 = arith.maximumf %parallel_loop3A_251, %parallel_loop3A_287 : vector<16xf32>
      %parallel_loop3A_290 = arith.constant 10 : i32
      %parallel_loop3A_291 = vector.broadcast %parallel_loop3A_290 : i32 to vector<16xi32>
      %parallel_loop3A_292 = arith.muli %parallel_loop3A_262, %parallel_loop3A_291 : vector<16xi32>
      %parallel_loop3A_293 = arith.constant 3 : i32
      %parallel_loop3A_294 = vector.broadcast %parallel_loop3A_293 : i32 to vector<16xi32>
      %parallel_loop3A_295 = arith.addi %parallel_loop3A_292, %parallel_loop3A_294 : vector<16xi32>
      %parallel_loop3A_296 = tpu.vector_load_idx %arg5[%parallel_loop3A_295] : memref<10240xf32, #tpu.memory_space<vmem>>[vector<16xi32>], vector<16xf32>,
      %parallel_loop3A_297 = arith.minimumf %parallel_loop3A_242, %parallel_loop3A_296 : vector<16xf32>
      %parallel_loop3A_298 = arith.maximumf %parallel_loop3A_252, %parallel_loop3A_296 : vector<16xf32>
      %parallel_loop3A_299 = arith.constant 10 : i32
      %parallel_loop3A_300 = vector.broadcast %parallel_loop3A_299 : i32 to vector<16xi32>
      %parallel_loop3A_301 = arith.muli %parallel_loop3A_262, %parallel_loop3A_300 : vector<16xi32>
      %parallel_loop3A_302 = arith.constant 4 : i32
      %parallel_loop3A_303 = vector.broadcast %parallel_loop3A_302 : i32 to vector<16xi32>
      %parallel_loop3A_304 = arith.addi %parallel_loop3A_301, %parallel_loop3A_303 : vector<16xi32>
      %parallel_loop3A_305 = tpu.vector_load_idx %arg5[%parallel_loop3A_304] : memref<10240xf32, #tpu.memory_space<vmem>>[vector<16xi32>], vector<16xf32>,
      %parallel_loop3A_306 = arith.minimumf %parallel_loop3A_243, %parallel_loop3A_305 : vector<16xf32>
      %parallel_loop3A_307 = arith.maximumf %parallel_loop3A_253, %parallel_loop3A_305 : vector<16xf32>
      %parallel_loop3A_308 = arith.constant 10 : i32
      %parallel_loop3A_309 = vector.broadcast %parallel_loop3A_308 : i32 to vector<16xi32>
      %parallel_loop3A_310 = arith.muli %parallel_loop3A_262, %parallel_loop3A_309 : vector<16xi32>
      %parallel_loop3A_311 = arith.constant 5 : i32
      %parallel_loop3A_312 = vector.broadcast %parallel_loop3A_311 : i32 to vector<16xi32>
      %parallel_loop3A_313 = arith.addi %parallel_loop3A_310, %parallel_loop3A_312 : vector<16xi32>
      %parallel_loop3A_314 = tpu.vector_load_idx %arg5[%parallel_loop3A_313] : memref<10240xf32, #tpu.memory_space<vmem>>[vector<16xi32>], vector<16xf32>,
      %parallel_loop3A_315 = arith.minimumf %parallel_loop3A_244, %parallel_loop3A_314 : vector<16xf32>
      %parallel_loop3A_316 = arith.maximumf %parallel_loop3A_254, %parallel_loop3A_314 : vector<16xf32>
      %parallel_loop3A_317 = arith.constant 10 : i32
      %parallel_loop3A_318 = vector.broadcast %parallel_loop3A_317 : i32 to vector<16xi32>
      %parallel_loop3A_319 = arith.muli %parallel_loop3A_262, %parallel_loop3A_318 : vector<16xi32>
      %parallel_loop3A_320 = arith.constant 6 : i32
      %parallel_loop3A_321 = vector.broadcast %parallel_loop3A_320 : i32 to vector<16xi32>
      %parallel_loop3A_322 = arith.addi %parallel_loop3A_319, %parallel_loop3A_321 : vector<16xi32>
      %parallel_loop3A_323 = tpu.vector_load_idx %arg5[%parallel_loop3A_322] : memref<10240xf32, #tpu.memory_space<vmem>>[vector<16xi32>], vector<16xf32>,
      %parallel_loop3A_324 = arith.minimumf %parallel_loop3A_245, %parallel_loop3A_323 : vector<16xf32>
      %parallel_loop3A_325 = arith.maximumf %parallel_loop3A_255, %parallel_loop3A_323 : vector<16xf32>
      %parallel_loop3A_326 = arith.constant 10 : i32
      %parallel_loop3A_327 = vector.broadcast %parallel_loop3A_326 : i32 to vector<16xi32>
      %parallel_loop3A_328 = arith.muli %parallel_loop3A_262, %parallel_loop3A_327 : vector<16xi32>
      %parallel_loop3A_329 = arith.constant 7 : i32
      %parallel_loop3A_330 = vector.broadcast %parallel_loop3A_329 : i32 to vector<16xi32>
      %parallel_loop3A_331 = arith.addi %parallel_loop3A_328, %parallel_loop3A_330 : vector<16xi32>
      %parallel_loop3A_332 = tpu.vector_load_idx %arg5[%parallel_loop3A_331] : memref<10240xf32, #tpu.memory_space<vmem>>[vector<16xi32>], vector<16xf32>,
      %parallel_loop3A_333 = arith.minimumf %parallel_loop3A_246, %parallel_loop3A_332 : vector<16xf32>
      %parallel_loop3A_334 = arith.maximumf %parallel_loop3A_256, %parallel_loop3A_332 : vector<16xf32>
      %parallel_loop3A_335 = arith.constant 10 : i32
      %parallel_loop3A_336 = vector.broadcast %parallel_loop3A_335 : i32 to vector<16xi32>
      %parallel_loop3A_337 = arith.muli %parallel_loop3A_262, %parallel_loop3A_336 : vector<16xi32>
      %parallel_loop3A_338 = arith.constant 8 : i32
      %parallel_loop3A_339 = vector.broadcast %parallel_loop3A_338 : i32 to vector<16xi32>
      %parallel_loop3A_340 = arith.addi %parallel_loop3A_337, %parallel_loop3A_339 : vector<16xi32>
      %parallel_loop3A_341 = tpu.vector_load_idx %arg5[%parallel_loop3A_340] : memref<10240xf32, #tpu.memory_space<vmem>>[vector<16xi32>], vector<16xf32>,
      %parallel_loop3A_342 = arith.minimumf %parallel_loop3A_247, %parallel_loop3A_341 : vector<16xf32>
      %parallel_loop3A_343 = arith.maximumf %parallel_loop3A_257, %parallel_loop3A_341 : vector<16xf32>
      %parallel_loop3A_344 = arith.constant 10 : i32
      %parallel_loop3A_345 = vector.broadcast %parallel_loop3A_344 : i32 to vector<16xi32>
      %parallel_loop3A_346 = arith.muli %parallel_loop3A_262, %parallel_loop3A_345 : vector<16xi32>
      %parallel_loop3A_347 = arith.constant 9 : i32
      %parallel_loop3A_348 = vector.broadcast %parallel_loop3A_347 : i32 to vector<16xi32>
      %parallel_loop3A_349 = arith.addi %parallel_loop3A_346, %parallel_loop3A_348 : vector<16xi32>
      %parallel_loop3A_350 = tpu.vector_load_idx %arg5[%parallel_loop3A_349] : memref<10240xf32, #tpu.memory_space<vmem>>[vector<16xi32>], vector<16xf32>,
      %parallel_loop3A_351 = arith.minimumf %parallel_loop3A_248, %parallel_loop3A_350 : vector<16xf32>
      %parallel_loop3A_352 = arith.maximumf %parallel_loop3A_258, %parallel_loop3A_350 : vector<16xf32>
      scf.yield %parallel_loop3A_270, %parallel_loop3A_279, %parallel_loop3A_288, %parallel_loop3A_297, %parallel_loop3A_306, %parallel_loop3A_315, %parallel_loop3A_324, %parallel_loop3A_333, %parallel_loop3A_342, %parallel_loop3A_351, %parallel_loop3A_271, %parallel_loop3A_280, %parallel_loop3A_289, %parallel_loop3A_298, %parallel_loop3A_307, %parallel_loop3A_316, %parallel_loop3A_325, %parallel_loop3A_334, %parallel_loop3A_343, %parallel_loop3A_352 : vector<16xf32>, vector<16xf32>, vector<16xf32>, vector<16xf32>, vector<16xf32>, vector<16xf32>, vector<16xf32>, vector<16xf32>, vector<16xf32>, vector<16xf32>, vector<16xf32>, vector<16xf32>, vector<16xf32>, vector<16xf32>, vector<16xf32>, vector<16xf32>, vector<16xf32>, vector<16xf32>, vector<16xf32>, vector<16xf32>
    } {sc.loop_unroll_factor = 4 : i64, sc.parallel_access}
    %swap3A = arith.constant 0 : index
    %swap3A_22 = tpu.vector_load %arg10[%swap3A] {strides = array<i32>} : memref<320xf32, #tpu.memory_space<vmem>>, vector<16xf32>,
    tpu.vector_store %arg10[%swap3A], %parallel_loop3A_21#0 {strides = array<i32>} : memref<320xf32, #tpu.memory_space<vmem>>, vector<16xf32>,
    %swap3A_23 = arith.constant 160 : index
    %swap3A_24 = tpu.vector_load %arg10[%swap3A_23] {strides = array<i32>} : memref<320xf32, #tpu.memory_space<vmem>>, vector<16xf32>,
    tpu.vector_store %arg10[%swap3A_23], %parallel_loop3A_21#10 {strides = array<i32>} : memref<320xf32, #tpu.memory_space<vmem>>, vector<16xf32>,
    %swap3A_25 = arith.constant 16 : index
    %swap3A_26 = tpu.vector_load %arg10[%swap3A_25] {strides = array<i32>} : memref<320xf32, #tpu.memory_space<vmem>>, vector<16xf32>,
    tpu.vector_store %arg10[%swap3A_25], %parallel_loop3A_21#1 {strides = array<i32>} : memref<320xf32, #tpu.memory_space<vmem>>, vector<16xf32>,
    %swap3A_27 = arith.constant 176 : index
    %swap3A_28 = tpu.vector_load %arg10[%swap3A_27] {strides = array<i32>} : memref<320xf32, #tpu.memory_space<vmem>>, vector<16xf32>,
    tpu.vector_store %arg10[%swap3A_27], %parallel_loop3A_21#11 {strides = array<i32>} : memref<320xf32, #tpu.memory_space<vmem>>, vector<16xf32>,
    %swap3A_29 = arith.constant 32 : index
    %swap3A_30 = tpu.vector_load %arg10[%swap3A_29] {strides = array<i32>} : memref<320xf32, #tpu.memory_space<vmem>>, vector<16xf32>,
    tpu.vector_store %arg10[%swap3A_29], %parallel_loop3A_21#2 {strides = array<i32>} : memref<320xf32, #tpu.memory_space<vmem>>, vector<16xf32>,
    %swap3A_31 = arith.constant 192 : index
    %swap3A_32 = tpu.vector_load %arg10[%swap3A_31] {strides = array<i32>} : memref<320xf32, #tpu.memory_space<vmem>>, vector<16xf32>,
    tpu.vector_store %arg10[%swap3A_31], %parallel_loop3A_21#12 {strides = array<i32>} : memref<320xf32, #tpu.memory_space<vmem>>, vector<16xf32>,
    %swap3A_33 = arith.constant 48 : index
    %swap3A_34 = tpu.vector_load %arg10[%swap3A_33] {strides = array<i32>} : memref<320xf32, #tpu.memory_space<vmem>>, vector<16xf32>,
    tpu.vector_store %arg10[%swap3A_33], %parallel_loop3A_21#3 {strides = array<i32>} : memref<320xf32, #tpu.memory_space<vmem>>, vector<16xf32>,
    %swap3A_35 = arith.constant 208 : index
    %swap3A_36 = tpu.vector_load %arg10[%swap3A_35] {strides = array<i32>} : memref<320xf32, #tpu.memory_space<vmem>>, vector<16xf32>,
    tpu.vector_store %arg10[%swap3A_35], %parallel_loop3A_21#13 {strides = array<i32>} : memref<320xf32, #tpu.memory_space<vmem>>, vector<16xf32>,
    %swap3A_37 = arith.constant 64 : index
    %swap3A_38 = tpu.vector_load %arg10[%swap3A_37] {strides = array<i32>} : memref<320xf32, #tpu.memory_space<vmem>>, vector<16xf32>,
    tpu.vector_store %arg10[%swap3A_37], %parallel_loop3A_21#4 {strides = array<i32>} : memref<320xf32, #tpu.memory_space<vmem>>, vector<16xf32>,
    %swap3A_39 = arith.constant 224 : index
    %swap3A_40 = tpu.vector_load %arg10[%swap3A_39] {strides = array<i32>} : memref<320xf32, #tpu.memory_space<vmem>>, vector<16xf32>,
    tpu.vector_store %arg10[%swap3A_39], %parallel_loop3A_21#14 {strides = array<i32>} : memref<320xf32, #tpu.memory_space<vmem>>, vector<16xf32>,
    %swap3A_41 = arith.constant 80 : index
    %swap3A_42 = tpu.vector_load %arg10[%swap3A_41] {strides = array<i32>} : memref<320xf32, #tpu.memory_space<vmem>>, vector<16xf32>,
    tpu.vector_store %arg10[%swap3A_41], %parallel_loop3A_21#5 {strides = array<i32>} : memref<320xf32, #tpu.memory_space<vmem>>, vector<16xf32>,
    %swap3A_43 = arith.constant 240 : index
    %swap3A_44 = tpu.vector_load %arg10[%swap3A_43] {strides = array<i32>} : memref<320xf32, #tpu.memory_space<vmem>>, vector<16xf32>,
    tpu.vector_store %arg10[%swap3A_43], %parallel_loop3A_21#15 {strides = array<i32>} : memref<320xf32, #tpu.memory_space<vmem>>, vector<16xf32>,
    %swap3A_45 = arith.constant 96 : index
    %swap3A_46 = tpu.vector_load %arg10[%swap3A_45] {strides = array<i32>} : memref<320xf32, #tpu.memory_space<vmem>>, vector<16xf32>,
    tpu.vector_store %arg10[%swap3A_45], %parallel_loop3A_21#6 {strides = array<i32>} : memref<320xf32, #tpu.memory_space<vmem>>, vector<16xf32>,
    %swap3A_47 = arith.constant 256 : index
    %swap3A_48 = tpu.vector_load %arg10[%swap3A_47] {strides = array<i32>} : memref<320xf32, #tpu.memory_space<vmem>>, vector<16xf32>,
    tpu.vector_store %arg10[%swap3A_47], %parallel_loop3A_21#16 {strides = array<i32>} : memref<320xf32, #tpu.memory_space<vmem>>, vector<16xf32>,
    %swap3A_49 = arith.constant 112 : index
    %swap3A_50 = tpu.vector_load %arg10[%swap3A_49] {strides = array<i32>} : memref<320xf32, #tpu.memory_space<vmem>>, vector<16xf32>,
    tpu.vector_store %arg10[%swap3A_49], %parallel_loop3A_21#7 {strides = array<i32>} : memref<320xf32, #tpu.memory_space<vmem>>, vector<16xf32>,
    %swap3A_51 = arith.constant 272 : index
    %swap3A_52 = tpu.vector_load %arg10[%swap3A_51] {strides = array<i32>} : memref<320xf32, #tpu.memory_space<vmem>>, vector<16xf32>,
    tpu.vector_store %arg10[%swap3A_51], %parallel_loop3A_21#17 {strides = array<i32>} : memref<320xf32, #tpu.memory_space<vmem>>, vector<16xf32>,
    %swap3A_53 = arith.constant 128 : index
    %swap3A_54 = tpu.vector_load %arg10[%swap3A_53] {strides = array<i32>} : memref<320xf32, #tpu.memory_space<vmem>>, vector<16xf32>,
    tpu.vector_store %arg10[%swap3A_53], %parallel_loop3A_21#8 {strides = array<i32>} : memref<320xf32, #tpu.memory_space<vmem>>, vector<16xf32>,
    %swap3A_55 = arith.constant 288 : index
    %swap3A_56 = tpu.vector_load %arg10[%swap3A_55] {strides = array<i32>} : memref<320xf32, #tpu.memory_space<vmem>>, vector<16xf32>,
    tpu.vector_store %arg10[%swap3A_55], %parallel_loop3A_21#18 {strides = array<i32>} : memref<320xf32, #tpu.memory_space<vmem>>, vector<16xf32>,
    %swap3A_57 = arith.constant 144 : index
    %swap3A_58 = tpu.vector_load %arg10[%swap3A_57] {strides = array<i32>} : memref<320xf32, #tpu.memory_space<vmem>>, vector<16xf32>,
    tpu.vector_store %arg10[%swap3A_57], %parallel_loop3A_21#9 {strides = array<i32>} : memref<320xf32, #tpu.memory_space<vmem>>, vector<16xf32>,
    %swap3A_59 = arith.constant 304 : index
    %swap3A_60 = tpu.vector_load %arg10[%swap3A_59] {strides = array<i32>} : memref<320xf32, #tpu.memory_space<vmem>>, vector<16xf32>,
    tpu.vector_store %arg10[%swap3A_59], %parallel_loop3A_21#19 {strides = array<i32>} : memref<320xf32, #tpu.memory_space<vmem>>, vector<16xf32>,
    %mul3A_61 = arith.constant 320 : i32
    %mul3A_62 = arith.muli %arg1, %mul3A_61 : i32
    "tpu.region"() ({
      %run_scoped3A = tpu.sem_alloc : memref<!tpu.dma_semaphore, #tpu.memory_space<semaphore_mem>>
      %dma_start3A_238 = tpu.memref_slice %arg14[%mul3A_62] : memref<5120xf32, #tpu.memory_space<vmem_shared>> -> memref<320xf32, #tpu.memory_space<vmem_shared>>
      %dma_start3A_239 = tpu.memref_slice %arg14[%mul3A_62] : memref<5120xf32, #tpu.memory_space<vmem_shared>> -> memref<320xf32, #tpu.memory_space<vmem_shared>>
      tpu.enqueue_dma source(%arg10 : memref<320xf32, #tpu.memory_space<vmem>>) target(%dma_start3A_239 : memref<320xf32, #tpu.memory_space<vmem_shared>>) target_semaphore(%run_scoped3A : memref<!tpu.dma_semaphore, #tpu.memory_space<semaphore_mem>>)
      %dma_wait3A_240 = tpu.memref_slice %arg14[%mul3A_62] : memref<5120xf32, #tpu.memory_space<vmem_shared>> -> memref<320xf32, #tpu.memory_space<vmem_shared>>
      %dma_wait3A_241 = tpu.memref_slice %arg14[%mul3A_62] : memref<5120xf32, #tpu.memory_space<vmem_shared>> -> memref<320xf32, #tpu.memory_space<vmem_shared>>
      tpu.wait_dma2 semaphore(%run_scoped3A : memref<!tpu.dma_semaphore, #tpu.memory_space<semaphore_mem>>) src(%arg10 : memref<320xf32, #tpu.memory_space<vmem>>) dst(%dma_wait3A_241 : memref<320xf32, #tpu.memory_space<vmem_shared>>)
      tpu.yield
    }) : () -> ()
    %barrier3A = arith.constant 0 : index
    tpu.barrier barrier_id(%barrier3A)
    "tpu.region"() ({
      %run_scoped3A = tpu.sem_alloc : memref<!tpu.dma_semaphore, #tpu.memory_space<semaphore_mem>>
      tpu.enqueue_dma source(%arg14 : memref<5120xf32, #tpu.memory_space<vmem_shared>>) target(%arg11 : memref<5120xf32, #tpu.memory_space<vmem>>) target_semaphore(%run_scoped3A : memref<!tpu.dma_semaphore, #tpu.memory_space<semaphore_mem>>)
      tpu.wait_dma2 semaphore(%run_scoped3A : memref<!tpu.dma_semaphore, #tpu.memory_space<semaphore_mem>>) src(%arg14 : memref<5120xf32, #tpu.memory_space<vmem_shared>>) dst(%arg11 : memref<5120xf32, #tpu.memory_space<vmem>>)
      tpu.yield
    }) : () -> ()
    %scan3A = arith.constant 0 : i32
    %scan3A_63 = arith.constant 16 : i32
    %scan3A_64 = arith.addi %scan3A, %scan3A_63 : i32
    %scan3A_65 = arith.constant 1 : i32
    %scan3A_66:20 = scf.for %scan3A_238 = %scan3A to %scan3A_64 step %scan3A_65 iter_args(%scan3A_239 = %broadcast_in_dim3A_10, %scan3A_240 = %broadcast_in_dim3A_10, %scan3A_241 = %broadcast_in_dim3A_10, %scan3A_242 = %broadcast_in_dim3A_10, %scan3A_243 = %broadcast_in_dim3A_10, %scan3A_244 = %broadcast_in_dim3A_10, %scan3A_245 = %broadcast_in_dim3A_10, %scan3A_246 = %broadcast_in_dim3A_10, %scan3A_247 = %broadcast_in_dim3A_10, %scan3A_248 = %broadcast_in_dim3A_10, %scan3A_249 = %broadcast_in_dim3A_12, %scan3A_250 = %broadcast_in_dim3A_12, %scan3A_251 = %broadcast_in_dim3A_12, %scan3A_252 = %broadcast_in_dim3A_12, %scan3A_253 = %broadcast_in_dim3A_12, %scan3A_254 = %broadcast_in_dim3A_12, %scan3A_255 = %broadcast_in_dim3A_12, %scan3A_256 = %broadcast_in_dim3A_12, %scan3A_257 = %broadcast_in_dim3A_12, %scan3A_258 = %broadcast_in_dim3A_12) -> (vector<16xf32>, vector<16xf32>, vector<16xf32>, vector<16xf32>, vector<16xf32>, vector<16xf32>, vector<16xf32>, vector<16xf32>, vector<16xf32>, vector<16xf32>, vector<16xf32>, vector<16xf32>, vector<16xf32>, vector<16xf32>, vector<16xf32>, vector<16xf32>, vector<16xf32>, vector<16xf32>, vector<16xf32>, vector<16xf32>)  : i32 {
      %mul3A_259 = arith.constant 320 : i32
      %mul3A_260 = arith.muli %scan3A_238, %mul3A_259 : i32
      %add3A_261 = arith.constant 0 : i32
      %add3A_262 = arith.addi %mul3A_260, %add3A_261 : i32
      %get3A = arith.index_cast %add3A_262 : i32 to index
      %get3A_263 = tpu.vector_load %arg11[%get3A] {strides = array<i32>} : memref<5120xf32, #tpu.memory_space<vmem>>, vector<16xf32>,
      %min3A = arith.minimumf %scan3A_239, %get3A_263 : vector<16xf32>
      %mul3A_264 = arith.constant 320 : i32
      %mul3A_265 = arith.muli %scan3A_238, %mul3A_264 : i32
      %add3A_266 = arith.constant 160 : i32
      %add3A_267 = arith.addi %mul3A_265, %add3A_266 : i32
      %add3A_268 = arith.constant 0 : i32
      %add3A_269 = arith.addi %add3A_267, %add3A_268 : i32
      %get3A_270 = arith.index_cast %add3A_269 : i32 to index
      %get3A_271 = tpu.vector_load %arg11[%get3A_270] {strides = array<i32>} : memref<5120xf32, #tpu.memory_space<vmem>>, vector<16xf32>,
      %max3A = arith.maximumf %scan3A_249, %get3A_271 : vector<16xf32>
      %mul3A_272 = arith.constant 320 : i32
      %mul3A_273 = arith.muli %scan3A_238, %mul3A_272 : i32
      %add3A_274 = arith.constant 16 : i32
      %add3A_275 = arith.addi %mul3A_273, %add3A_274 : i32
      %get3A_276 = arith.index_cast %add3A_275 : i32 to index
      %get3A_277 = tpu.vector_load %arg11[%get3A_276] {strides = array<i32>} : memref<5120xf32, #tpu.memory_space<vmem>>, vector<16xf32>,
      %min3A_278 = arith.minimumf %scan3A_240, %get3A_277 : vector<16xf32>
      %mul3A_279 = arith.constant 320 : i32
      %mul3A_280 = arith.muli %scan3A_238, %mul3A_279 : i32
      %add3A_281 = arith.constant 160 : i32
      %add3A_282 = arith.addi %mul3A_280, %add3A_281 : i32
      %add3A_283 = arith.constant 16 : i32
      %add3A_284 = arith.addi %add3A_282, %add3A_283 : i32
      %get3A_285 = arith.index_cast %add3A_284 : i32 to index
      %get3A_286 = tpu.vector_load %arg11[%get3A_285] {strides = array<i32>} : memref<5120xf32, #tpu.memory_space<vmem>>, vector<16xf32>,
      %max3A_287 = arith.maximumf %scan3A_250, %get3A_286 : vector<16xf32>
      %mul3A_288 = arith.constant 320 : i32
      %mul3A_289 = arith.muli %scan3A_238, %mul3A_288 : i32
      %add3A_290 = arith.constant 32 : i32
      %add3A_291 = arith.addi %mul3A_289, %add3A_290 : i32
      %get3A_292 = arith.index_cast %add3A_291 : i32 to index
      %get3A_293 = tpu.vector_load %arg11[%get3A_292] {strides = array<i32>} : memref<5120xf32, #tpu.memory_space<vmem>>, vector<16xf32>,
      %min3A_294 = arith.minimumf %scan3A_241, %get3A_293 : vector<16xf32>
      %mul3A_295 = arith.constant 320 : i32
      %mul3A_296 = arith.muli %scan3A_238, %mul3A_295 : i32
      %add3A_297 = arith.constant 160 : i32
      %add3A_298 = arith.addi %mul3A_296, %add3A_297 : i32
      %add3A_299 = arith.constant 32 : i32
      %add3A_300 = arith.addi %add3A_298, %add3A_299 : i32
      %get3A_301 = arith.index_cast %add3A_300 : i32 to index
      %get3A_302 = tpu.vector_load %arg11[%get3A_301] {strides = array<i32>} : memref<5120xf32, #tpu.memory_space<vmem>>, vector<16xf32>,
      %max3A_303 = arith.maximumf %scan3A_251, %get3A_302 : vector<16xf32>
      %mul3A_304 = arith.constant 320 : i32
      %mul3A_305 = arith.muli %scan3A_238, %mul3A_304 : i32
      %add3A_306 = arith.constant 48 : i32
      %add3A_307 = arith.addi %mul3A_305, %add3A_306 : i32
      %get3A_308 = arith.index_cast %add3A_307 : i32 to index
      %get3A_309 = tpu.vector_load %arg11[%get3A_308] {strides = array<i32>} : memref<5120xf32, #tpu.memory_space<vmem>>, vector<16xf32>,
      %min3A_310 = arith.minimumf %scan3A_242, %get3A_309 : vector<16xf32>
      %mul3A_311 = arith.constant 320 : i32
      %mul3A_312 = arith.muli %scan3A_238, %mul3A_311 : i32
      %add3A_313 = arith.constant 160 : i32
      %add3A_314 = arith.addi %mul3A_312, %add3A_313 : i32
      %add3A_315 = arith.constant 48 : i32
      %add3A_316 = arith.addi %add3A_314, %add3A_315 : i32
      %get3A_317 = arith.index_cast %add3A_316 : i32 to index
      %get3A_318 = tpu.vector_load %arg11[%get3A_317] {strides = array<i32>} : memref<5120xf32, #tpu.memory_space<vmem>>, vector<16xf32>,
      %max3A_319 = arith.maximumf %scan3A_252, %get3A_318 : vector<16xf32>
      %mul3A_320 = arith.constant 320 : i32
      %mul3A_321 = arith.muli %scan3A_238, %mul3A_320 : i32
      %add3A_322 = arith.constant 64 : i32
      %add3A_323 = arith.addi %mul3A_321, %add3A_322 : i32
      %get3A_324 = arith.index_cast %add3A_323 : i32 to index
      %get3A_325 = tpu.vector_load %arg11[%get3A_324] {strides = array<i32>} : memref<5120xf32, #tpu.memory_space<vmem>>, vector<16xf32>,
      %min3A_326 = arith.minimumf %scan3A_243, %get3A_325 : vector<16xf32>
      %mul3A_327 = arith.constant 320 : i32
      %mul3A_328 = arith.muli %scan3A_238, %mul3A_327 : i32
      %add3A_329 = arith.constant 160 : i32
      %add3A_330 = arith.addi %mul3A_328, %add3A_329 : i32
      %add3A_331 = arith.constant 64 : i32
      %add3A_332 = arith.addi %add3A_330, %add3A_331 : i32
      %get3A_333 = arith.index_cast %add3A_332 : i32 to index
      %get3A_334 = tpu.vector_load %arg11[%get3A_333] {strides = array<i32>} : memref<5120xf32, #tpu.memory_space<vmem>>, vector<16xf32>,
      %max3A_335 = arith.maximumf %scan3A_253, %get3A_334 : vector<16xf32>
      %mul3A_336 = arith.constant 320 : i32
      %mul3A_337 = arith.muli %scan3A_238, %mul3A_336 : i32
      %add3A_338 = arith.constant 80 : i32
      %add3A_339 = arith.addi %mul3A_337, %add3A_338 : i32
      %get3A_340 = arith.index_cast %add3A_339 : i32 to index
      %get3A_341 = tpu.vector_load %arg11[%get3A_340] {strides = array<i32>} : memref<5120xf32, #tpu.memory_space<vmem>>, vector<16xf32>,
      %min3A_342 = arith.minimumf %scan3A_244, %get3A_341 : vector<16xf32>
      %mul3A_343 = arith.constant 320 : i32
      %mul3A_344 = arith.muli %scan3A_238, %mul3A_343 : i32
      %add3A_345 = arith.constant 160 : i32
      %add3A_346 = arith.addi %mul3A_344, %add3A_345 : i32
      %add3A_347 = arith.constant 80 : i32
      %add3A_348 = arith.addi %add3A_346, %add3A_347 : i32
      %get3A_349 = arith.index_cast %add3A_348 : i32 to index
      %get3A_350 = tpu.vector_load %arg11[%get3A_349] {strides = array<i32>} : memref<5120xf32, #tpu.memory_space<vmem>>, vector<16xf32>,
      %max3A_351 = arith.maximumf %scan3A_254, %get3A_350 : vector<16xf32>
      %mul3A_352 = arith.constant 320 : i32
      %mul3A_353 = arith.muli %scan3A_238, %mul3A_352 : i32
      %add3A_354 = arith.constant 96 : i32
      %add3A_355 = arith.addi %mul3A_353, %add3A_354 : i32
      %get3A_356 = arith.index_cast %add3A_355 : i32 to index
      %get3A_357 = tpu.vector_load %arg11[%get3A_356] {strides = array<i32>} : memref<5120xf32, #tpu.memory_space<vmem>>, vector<16xf32>,
      %min3A_358 = arith.minimumf %scan3A_245, %get3A_357 : vector<16xf32>
      %mul3A_359 = arith.constant 320 : i32
      %mul3A_360 = arith.muli %scan3A_238, %mul3A_359 : i32
      %add3A_361 = arith.constant 160 : i32
      %add3A_362 = arith.addi %mul3A_360, %add3A_361 : i32
      %add3A_363 = arith.constant 96 : i32
      %add3A_364 = arith.addi %add3A_362, %add3A_363 : i32
      %get3A_365 = arith.index_cast %add3A_364 : i32 to index
      %get3A_366 = tpu.vector_load %arg11[%get3A_365] {strides = array<i32>} : memref<5120xf32, #tpu.memory_space<vmem>>, vector<16xf32>,
      %max3A_367 = arith.maximumf %scan3A_255, %get3A_366 : vector<16xf32>
      %mul3A_368 = arith.constant 320 : i32
      %mul3A_369 = arith.muli %scan3A_238, %mul3A_368 : i32
      %add3A_370 = arith.constant 112 : i32
      %add3A_371 = arith.addi %mul3A_369, %add3A_370 : i32
      %get3A_372 = arith.index_cast %add3A_371 : i32 to index
      %get3A_373 = tpu.vector_load %arg11[%get3A_372] {strides = array<i32>} : memref<5120xf32, #tpu.memory_space<vmem>>, vector<16xf32>,
      %min3A_374 = arith.minimumf %scan3A_246, %get3A_373 : vector<16xf32>
      %mul3A_375 = arith.constant 320 : i32
      %mul3A_376 = arith.muli %scan3A_238, %mul3A_375 : i32
      %add3A_377 = arith.constant 160 : i32
      %add3A_378 = arith.addi %mul3A_376, %add3A_377 : i32
      %add3A_379 = arith.constant 112 : i32
      %add3A_380 = arith.addi %add3A_378, %add3A_379 : i32
      %get3A_381 = arith.index_cast %add3A_380 : i32 to index
      %get3A_382 = tpu.vector_load %arg11[%get3A_381] {strides = array<i32>} : memref<5120xf32, #tpu.memory_space<vmem>>, vector<16xf32>,
      %max3A_383 = arith.maximumf %scan3A_256, %get3A_382 : vector<16xf32>
      %mul3A_384 = arith.constant 320 : i32
      %mul3A_385 = arith.muli %scan3A_238, %mul3A_384 : i32
      %add3A_386 = arith.constant 128 : i32
      %add3A_387 = arith.addi %mul3A_385, %add3A_386 : i32
      %get3A_388 = arith.index_cast %add3A_387 : i32 to index
      %get3A_389 = tpu.vector_load %arg11[%get3A_388] {strides = array<i32>} : memref<5120xf32, #tpu.memory_space<vmem>>, vector<16xf32>,
      %min3A_390 = arith.minimumf %scan3A_247, %get3A_389 : vector<16xf32>
      %mul3A_391 = arith.constant 320 : i32
      %mul3A_392 = arith.muli %scan3A_238, %mul3A_391 : i32
      %add3A_393 = arith.constant 160 : i32
      %add3A_394 = arith.addi %mul3A_392, %add3A_393 : i32
      %add3A_395 = arith.constant 128 : i32
      %add3A_396 = arith.addi %add3A_394, %add3A_395 : i32
      %get3A_397 = arith.index_cast %add3A_396 : i32 to index
      %get3A_398 = tpu.vector_load %arg11[%get3A_397] {strides = array<i32>} : memref<5120xf32, #tpu.memory_space<vmem>>, vector<16xf32>,
      %max3A_399 = arith.maximumf %scan3A_257, %get3A_398 : vector<16xf32>
      %mul3A_400 = arith.constant 320 : i32
      %mul3A_401 = arith.muli %scan3A_238, %mul3A_400 : i32
      %add3A_402 = arith.constant 144 : i32
      %add3A_403 = arith.addi %mul3A_401, %add3A_402 : i32
      %get3A_404 = arith.index_cast %add3A_403 : i32 to index
      %get3A_405 = tpu.vector_load %arg11[%get3A_404] {strides = array<i32>} : memref<5120xf32, #tpu.memory_space<vmem>>, vector<16xf32>,
      %min3A_406 = arith.minimumf %scan3A_248, %get3A_405 : vector<16xf32>
      %mul3A_407 = arith.constant 320 : i32
      %mul3A_408 = arith.muli %scan3A_238, %mul3A_407 : i32
      %add3A_409 = arith.constant 160 : i32
      %add3A_410 = arith.addi %mul3A_408, %add3A_409 : i32
      %add3A_411 = arith.constant 144 : i32
      %add3A_412 = arith.addi %add3A_410, %add3A_411 : i32
      %get3A_413 = arith.index_cast %add3A_412 : i32 to index
      %get3A_414 = tpu.vector_load %arg11[%get3A_413] {strides = array<i32>} : memref<5120xf32, #tpu.memory_space<vmem>>, vector<16xf32>,
      %max3A_415 = arith.maximumf %scan3A_258, %get3A_414 : vector<16xf32>
      scf.yield %min3A, %min3A_278, %min3A_294, %min3A_310, %min3A_326, %min3A_342, %min3A_358, %min3A_374, %min3A_390, %min3A_406, %max3A, %max3A_287, %max3A_303, %max3A_319, %max3A_335, %max3A_351, %max3A_367, %max3A_383, %max3A_399, %max3A_415 : vector<16xf32>, vector<16xf32>, vector<16xf32>, vector<16xf32>, vector<16xf32>, vector<16xf32>, vector<16xf32>, vector<16xf32>, vector<16xf32>, vector<16xf32>, vector<16xf32>, vector<16xf32>, vector<16xf32>, vector<16xf32>, vector<16xf32>, vector<16xf32>, vector<16xf32>, vector<16xf32>, vector<16xf32>, vector<16xf32>
    }
    %scan3A_67 = arith.constant 16 : i32
    %reduce_min3A = arith.constant true
    %reduce_min3A_68 = vector.broadcast %reduce_min3A : i1 to vector<16xi1>
    %reduce_min3A_69 = tpu.scan <min>, %scan3A_66#0 masked %reduce_min3A_68 : vector<16xf32>, vector<16xi1> -> vector<16xf32>
    %reduce_min3A_70 = vector.extract %reduce_min3A_69[15] : f32 from vector<16xf32>
    %reduce_max3A = arith.constant true
    %reduce_max3A_71 = vector.broadcast %reduce_max3A : i1 to vector<16xi1>
    %reduce_max3A_72 = tpu.scan <max>, %scan3A_66#10 masked %reduce_max3A_71 : vector<16xf32>, vector<16xi1> -> vector<16xf32>
    %reduce_max3A_73 = vector.extract %reduce_max3A_72[15] : f32 from vector<16xf32>
    %broadcast_in_dim3A_74 = arith.constant 5.000000e+01 : f32
    %broadcast_in_dim3A_75 = vector.broadcast %broadcast_in_dim3A_74 : f32 to vector<16xf32>
    %sub3A = arith.subf %reduce_max3A_73, %reduce_min3A_70 : f32
    %broadcast_in_dim3A_76 = vector.broadcast %sub3A : f32 to vector<16xf32>
    %div3A = arith.divf %broadcast_in_dim3A_75, %broadcast_in_dim3A_76 : vector<16xf32>
    %broadcast_in_dim3A_77 = arith.constant 0 : i32
    %broadcast_in_dim3A_78 = vector.broadcast %broadcast_in_dim3A_77 : i32 to vector<16xi32>
    %broadcast_in_dim3A_79 = vector.broadcast %reduce_min3A_70 : f32 to vector<16xf32>
    tpu.vector_store_idx %arg8[%broadcast_in_dim3A_78], %broadcast_in_dim3A_79 : memref<16xf32, #tpu.memory_space<vmem>>[vector<16xi32>], vector<16xf32>,
    tpu.vector_store_idx %arg9[%broadcast_in_dim3A_78], %div3A : memref<16xf32, #tpu.memory_space<vmem>>[vector<16xi32>], vector<16xf32>,
    %reduce_min3A_80 = arith.constant true
    %reduce_min3A_81 = vector.broadcast %reduce_min3A_80 : i1 to vector<16xi1>
    %reduce_min3A_82 = tpu.scan <min>, %scan3A_66#1 masked %reduce_min3A_81 : vector<16xf32>, vector<16xi1> -> vector<16xf32>
    %reduce_min3A_83 = vector.extract %reduce_min3A_82[15] : f32 from vector<16xf32>
    %reduce_max3A_84 = arith.constant true
    %reduce_max3A_85 = vector.broadcast %reduce_max3A_84 : i1 to vector<16xi1>
    %reduce_max3A_86 = tpu.scan <max>, %scan3A_66#11 masked %reduce_max3A_85 : vector<16xf32>, vector<16xi1> -> vector<16xf32>
    %reduce_max3A_87 = vector.extract %reduce_max3A_86[15] : f32 from vector<16xf32>
    %broadcast_in_dim3A_88 = arith.constant 5.000000e+01 : f32
    %broadcast_in_dim3A_89 = vector.broadcast %broadcast_in_dim3A_88 : f32 to vector<16xf32>
    %sub3A_90 = arith.subf %reduce_max3A_87, %reduce_min3A_83 : f32
    %broadcast_in_dim3A_91 = vector.broadcast %sub3A_90 : f32 to vector<16xf32>
    %div3A_92 = arith.divf %broadcast_in_dim3A_89, %broadcast_in_dim3A_91 : vector<16xf32>
    %broadcast_in_dim3A_93 = arith.constant 1 : i32
    %broadcast_in_dim3A_94 = vector.broadcast %broadcast_in_dim3A_93 : i32 to vector<16xi32>
    %broadcast_in_dim3A_95 = vector.broadcast %reduce_min3A_83 : f32 to vector<16xf32>
    tpu.vector_store_idx %arg8[%broadcast_in_dim3A_94], %broadcast_in_dim3A_95 : memref<16xf32, #tpu.memory_space<vmem>>[vector<16xi32>], vector<16xf32>,
    tpu.vector_store_idx %arg9[%broadcast_in_dim3A_94], %div3A_92 : memref<16xf32, #tpu.memory_space<vmem>>[vector<16xi32>], vector<16xf32>,
    %reduce_min3A_96 = arith.constant true
    %reduce_min3A_97 = vector.broadcast %reduce_min3A_96 : i1 to vector<16xi1>
    %reduce_min3A_98 = tpu.scan <min>, %scan3A_66#2 masked %reduce_min3A_97 : vector<16xf32>, vector<16xi1> -> vector<16xf32>
    %reduce_min3A_99 = vector.extract %reduce_min3A_98[15] : f32 from vector<16xf32>
    %reduce_max3A_100 = arith.constant true
    %reduce_max3A_101 = vector.broadcast %reduce_max3A_100 : i1 to vector<16xi1>
    %reduce_max3A_102 = tpu.scan <max>, %scan3A_66#12 masked %reduce_max3A_101 : vector<16xf32>, vector<16xi1> -> vector<16xf32>
    %reduce_max3A_103 = vector.extract %reduce_max3A_102[15] : f32 from vector<16xf32>
    %broadcast_in_dim3A_104 = arith.constant 5.000000e+01 : f32
    %broadcast_in_dim3A_105 = vector.broadcast %broadcast_in_dim3A_104 : f32 to vector<16xf32>
    %sub3A_106 = arith.subf %reduce_max3A_103, %reduce_min3A_99 : f32
    %broadcast_in_dim3A_107 = vector.broadcast %sub3A_106 : f32 to vector<16xf32>
    %div3A_108 = arith.divf %broadcast_in_dim3A_105, %broadcast_in_dim3A_107 : vector<16xf32>
    %broadcast_in_dim3A_109 = arith.constant 2 : i32
    %broadcast_in_dim3A_110 = vector.broadcast %broadcast_in_dim3A_109 : i32 to vector<16xi32>
    %broadcast_in_dim3A_111 = vector.broadcast %reduce_min3A_99 : f32 to vector<16xf32>
    tpu.vector_store_idx %arg8[%broadcast_in_dim3A_110], %broadcast_in_dim3A_111 : memref<16xf32, #tpu.memory_space<vmem>>[vector<16xi32>], vector<16xf32>,
    tpu.vector_store_idx %arg9[%broadcast_in_dim3A_110], %div3A_108 : memref<16xf32, #tpu.memory_space<vmem>>[vector<16xi32>], vector<16xf32>,
    %reduce_min3A_112 = arith.constant true
    %reduce_min3A_113 = vector.broadcast %reduce_min3A_112 : i1 to vector<16xi1>
    %reduce_min3A_114 = tpu.scan <min>, %scan3A_66#3 masked %reduce_min3A_113 : vector<16xf32>, vector<16xi1> -> vector<16xf32>
    %reduce_min3A_115 = vector.extract %reduce_min3A_114[15] : f32 from vector<16xf32>
    %reduce_max3A_116 = arith.constant true
    %reduce_max3A_117 = vector.broadcast %reduce_max3A_116 : i1 to vector<16xi1>
    %reduce_max3A_118 = tpu.scan <max>, %scan3A_66#13 masked %reduce_max3A_117 : vector<16xf32>, vector<16xi1> -> vector<16xf32>
    %reduce_max3A_119 = vector.extract %reduce_max3A_118[15] : f32 from vector<16xf32>
    %broadcast_in_dim3A_120 = arith.constant 5.000000e+01 : f32
    %broadcast_in_dim3A_121 = vector.broadcast %broadcast_in_dim3A_120 : f32 to vector<16xf32>
    %sub3A_122 = arith.subf %reduce_max3A_119, %reduce_min3A_115 : f32
    %broadcast_in_dim3A_123 = vector.broadcast %sub3A_122 : f32 to vector<16xf32>
    %div3A_124 = arith.divf %broadcast_in_dim3A_121, %broadcast_in_dim3A_123 : vector<16xf32>
    %broadcast_in_dim3A_125 = arith.constant 3 : i32
    %broadcast_in_dim3A_126 = vector.broadcast %broadcast_in_dim3A_125 : i32 to vector<16xi32>
    %broadcast_in_dim3A_127 = vector.broadcast %reduce_min3A_115 : f32 to vector<16xf32>
    tpu.vector_store_idx %arg8[%broadcast_in_dim3A_126], %broadcast_in_dim3A_127 : memref<16xf32, #tpu.memory_space<vmem>>[vector<16xi32>], vector<16xf32>,
    tpu.vector_store_idx %arg9[%broadcast_in_dim3A_126], %div3A_124 : memref<16xf32, #tpu.memory_space<vmem>>[vector<16xi32>], vector<16xf32>,
    %reduce_min3A_128 = arith.constant true
    %reduce_min3A_129 = vector.broadcast %reduce_min3A_128 : i1 to vector<16xi1>
    %reduce_min3A_130 = tpu.scan <min>, %scan3A_66#4 masked %reduce_min3A_129 : vector<16xf32>, vector<16xi1> -> vector<16xf32>
    %reduce_min3A_131 = vector.extract %reduce_min3A_130[15] : f32 from vector<16xf32>
    %reduce_max3A_132 = arith.constant true
    %reduce_max3A_133 = vector.broadcast %reduce_max3A_132 : i1 to vector<16xi1>
    %reduce_max3A_134 = tpu.scan <max>, %scan3A_66#14 masked %reduce_max3A_133 : vector<16xf32>, vector<16xi1> -> vector<16xf32>
    %reduce_max3A_135 = vector.extract %reduce_max3A_134[15] : f32 from vector<16xf32>
    %broadcast_in_dim3A_136 = arith.constant 5.000000e+01 : f32
    %broadcast_in_dim3A_137 = vector.broadcast %broadcast_in_dim3A_136 : f32 to vector<16xf32>
    %sub3A_138 = arith.subf %reduce_max3A_135, %reduce_min3A_131 : f32
    %broadcast_in_dim3A_139 = vector.broadcast %sub3A_138 : f32 to vector<16xf32>
    %div3A_140 = arith.divf %broadcast_in_dim3A_137, %broadcast_in_dim3A_139 : vector<16xf32>
    %broadcast_in_dim3A_141 = arith.constant 4 : i32
    %broadcast_in_dim3A_142 = vector.broadcast %broadcast_in_dim3A_141 : i32 to vector<16xi32>
    %broadcast_in_dim3A_143 = vector.broadcast %reduce_min3A_131 : f32 to vector<16xf32>
    tpu.vector_store_idx %arg8[%broadcast_in_dim3A_142], %broadcast_in_dim3A_143 : memref<16xf32, #tpu.memory_space<vmem>>[vector<16xi32>], vector<16xf32>,
    tpu.vector_store_idx %arg9[%broadcast_in_dim3A_142], %div3A_140 : memref<16xf32, #tpu.memory_space<vmem>>[vector<16xi32>], vector<16xf32>,
    %reduce_min3A_144 = arith.constant true
    %reduce_min3A_145 = vector.broadcast %reduce_min3A_144 : i1 to vector<16xi1>
    %reduce_min3A_146 = tpu.scan <min>, %scan3A_66#5 masked %reduce_min3A_145 : vector<16xf32>, vector<16xi1> -> vector<16xf32>
    %reduce_min3A_147 = vector.extract %reduce_min3A_146[15] : f32 from vector<16xf32>
    %reduce_max3A_148 = arith.constant true
    %reduce_max3A_149 = vector.broadcast %reduce_max3A_148 : i1 to vector<16xi1>
    %reduce_max3A_150 = tpu.scan <max>, %scan3A_66#15 masked %reduce_max3A_149 : vector<16xf32>, vector<16xi1> -> vector<16xf32>
    %reduce_max3A_151 = vector.extract %reduce_max3A_150[15] : f32 from vector<16xf32>
    %broadcast_in_dim3A_152 = arith.constant 5.000000e+01 : f32
    %broadcast_in_dim3A_153 = vector.broadcast %broadcast_in_dim3A_152 : f32 to vector<16xf32>
    %sub3A_154 = arith.subf %reduce_max3A_151, %reduce_min3A_147 : f32
    %broadcast_in_dim3A_155 = vector.broadcast %sub3A_154 : f32 to vector<16xf32>
    %div3A_156 = arith.divf %broadcast_in_dim3A_153, %broadcast_in_dim3A_155 : vector<16xf32>
    %broadcast_in_dim3A_157 = arith.constant 5 : i32
    %broadcast_in_dim3A_158 = vector.broadcast %broadcast_in_dim3A_157 : i32 to vector<16xi32>
    %broadcast_in_dim3A_159 = vector.broadcast %reduce_min3A_147 : f32 to vector<16xf32>
    tpu.vector_store_idx %arg8[%broadcast_in_dim3A_158], %broadcast_in_dim3A_159 : memref<16xf32, #tpu.memory_space<vmem>>[vector<16xi32>], vector<16xf32>,
    tpu.vector_store_idx %arg9[%broadcast_in_dim3A_158], %div3A_156 : memref<16xf32, #tpu.memory_space<vmem>>[vector<16xi32>], vector<16xf32>,
    %reduce_min3A_160 = arith.constant true
    %reduce_min3A_161 = vector.broadcast %reduce_min3A_160 : i1 to vector<16xi1>
    %reduce_min3A_162 = tpu.scan <min>, %scan3A_66#6 masked %reduce_min3A_161 : vector<16xf32>, vector<16xi1> -> vector<16xf32>
    %reduce_min3A_163 = vector.extract %reduce_min3A_162[15] : f32 from vector<16xf32>
    %reduce_max3A_164 = arith.constant true
    %reduce_max3A_165 = vector.broadcast %reduce_max3A_164 : i1 to vector<16xi1>
    %reduce_max3A_166 = tpu.scan <max>, %scan3A_66#16 masked %reduce_max3A_165 : vector<16xf32>, vector<16xi1> -> vector<16xf32>
    %reduce_max3A_167 = vector.extract %reduce_max3A_166[15] : f32 from vector<16xf32>
    %broadcast_in_dim3A_168 = arith.constant 5.000000e+01 : f32
    %broadcast_in_dim3A_169 = vector.broadcast %broadcast_in_dim3A_168 : f32 to vector<16xf32>
    %sub3A_170 = arith.subf %reduce_max3A_167, %reduce_min3A_163 : f32
    %broadcast_in_dim3A_171 = vector.broadcast %sub3A_170 : f32 to vector<16xf32>
    %div3A_172 = arith.divf %broadcast_in_dim3A_169, %broadcast_in_dim3A_171 : vector<16xf32>
    %broadcast_in_dim3A_173 = arith.constant 6 : i32
    %broadcast_in_dim3A_174 = vector.broadcast %broadcast_in_dim3A_173 : i32 to vector<16xi32>
    %broadcast_in_dim3A_175 = vector.broadcast %reduce_min3A_163 : f32 to vector<16xf32>
    tpu.vector_store_idx %arg8[%broadcast_in_dim3A_174], %broadcast_in_dim3A_175 : memref<16xf32, #tpu.memory_space<vmem>>[vector<16xi32>], vector<16xf32>,
    tpu.vector_store_idx %arg9[%broadcast_in_dim3A_174], %div3A_172 : memref<16xf32, #tpu.memory_space<vmem>>[vector<16xi32>], vector<16xf32>,
    %reduce_min3A_176 = arith.constant true
    %reduce_min3A_177 = vector.broadcast %reduce_min3A_176 : i1 to vector<16xi1>
    %reduce_min3A_178 = tpu.scan <min>, %scan3A_66#7 masked %reduce_min3A_177 : vector<16xf32>, vector<16xi1> -> vector<16xf32>
    %reduce_min3A_179 = vector.extract %reduce_min3A_178[15] : f32 from vector<16xf32>
    %reduce_max3A_180 = arith.constant true
    %reduce_max3A_181 = vector.broadcast %reduce_max3A_180 : i1 to vector<16xi1>
    %reduce_max3A_182 = tpu.scan <max>, %scan3A_66#17 masked %reduce_max3A_181 : vector<16xf32>, vector<16xi1> -> vector<16xf32>
    %reduce_max3A_183 = vector.extract %reduce_max3A_182[15] : f32 from vector<16xf32>
    %broadcast_in_dim3A_184 = arith.constant 5.000000e+01 : f32
    %broadcast_in_dim3A_185 = vector.broadcast %broadcast_in_dim3A_184 : f32 to vector<16xf32>
    %sub3A_186 = arith.subf %reduce_max3A_183, %reduce_min3A_179 : f32
    %broadcast_in_dim3A_187 = vector.broadcast %sub3A_186 : f32 to vector<16xf32>
    %div3A_188 = arith.divf %broadcast_in_dim3A_185, %broadcast_in_dim3A_187 : vector<16xf32>
    %broadcast_in_dim3A_189 = arith.constant 7 : i32
    %broadcast_in_dim3A_190 = vector.broadcast %broadcast_in_dim3A_189 : i32 to vector<16xi32>
    %broadcast_in_dim3A_191 = vector.broadcast %reduce_min3A_179 : f32 to vector<16xf32>
    tpu.vector_store_idx %arg8[%broadcast_in_dim3A_190], %broadcast_in_dim3A_191 : memref<16xf32, #tpu.memory_space<vmem>>[vector<16xi32>], vector<16xf32>,
    tpu.vector_store_idx %arg9[%broadcast_in_dim3A_190], %div3A_188 : memref<16xf32, #tpu.memory_space<vmem>>[vector<16xi32>], vector<16xf32>,
    %reduce_min3A_192 = arith.constant true
    %reduce_min3A_193 = vector.broadcast %reduce_min3A_192 : i1 to vector<16xi1>
    %reduce_min3A_194 = tpu.scan <min>, %scan3A_66#8 masked %reduce_min3A_193 : vector<16xf32>, vector<16xi1> -> vector<16xf32>
    %reduce_min3A_195 = vector.extract %reduce_min3A_194[15] : f32 from vector<16xf32>
    %reduce_max3A_196 = arith.constant true
    %reduce_max3A_197 = vector.broadcast %reduce_max3A_196 : i1 to vector<16xi1>
    %reduce_max3A_198 = tpu.scan <max>, %scan3A_66#18 masked %reduce_max3A_197 : vector<16xf32>, vector<16xi1> -> vector<16xf32>
    %reduce_max3A_199 = vector.extract %reduce_max3A_198[15] : f32 from vector<16xf32>
    %broadcast_in_dim3A_200 = arith.constant 5.000000e+01 : f32
    %broadcast_in_dim3A_201 = vector.broadcast %broadcast_in_dim3A_200 : f32 to vector<16xf32>
    %sub3A_202 = arith.subf %reduce_max3A_199, %reduce_min3A_195 : f32
    %broadcast_in_dim3A_203 = vector.broadcast %sub3A_202 : f32 to vector<16xf32>
    %div3A_204 = arith.divf %broadcast_in_dim3A_201, %broadcast_in_dim3A_203 : vector<16xf32>
    %broadcast_in_dim3A_205 = arith.constant 8 : i32
    %broadcast_in_dim3A_206 = vector.broadcast %broadcast_in_dim3A_205 : i32 to vector<16xi32>
    %broadcast_in_dim3A_207 = vector.broadcast %reduce_min3A_195 : f32 to vector<16xf32>
    tpu.vector_store_idx %arg8[%broadcast_in_dim3A_206], %broadcast_in_dim3A_207 : memref<16xf32, #tpu.memory_space<vmem>>[vector<16xi32>], vector<16xf32>,
    tpu.vector_store_idx %arg9[%broadcast_in_dim3A_206], %div3A_204 : memref<16xf32, #tpu.memory_space<vmem>>[vector<16xi32>], vector<16xf32>,
    %reduce_min3A_208 = arith.constant true
    %reduce_min3A_209 = vector.broadcast %reduce_min3A_208 : i1 to vector<16xi1>
    %reduce_min3A_210 = tpu.scan <min>, %scan3A_66#9 masked %reduce_min3A_209 : vector<16xf32>, vector<16xi1> -> vector<16xf32>
    %reduce_min3A_211 = vector.extract %reduce_min3A_210[15] : f32 from vector<16xf32>
    %reduce_max3A_212 = arith.constant true
    %reduce_max3A_213 = vector.broadcast %reduce_max3A_212 : i1 to vector<16xi1>
    %reduce_max3A_214 = tpu.scan <max>, %scan3A_66#19 masked %reduce_max3A_213 : vector<16xf32>, vector<16xi1> -> vector<16xf32>
    %reduce_max3A_215 = vector.extract %reduce_max3A_214[15] : f32 from vector<16xf32>
    %broadcast_in_dim3A_216 = arith.constant 5.000000e+01 : f32
    %broadcast_in_dim3A_217 = vector.broadcast %broadcast_in_dim3A_216 : f32 to vector<16xf32>
    %sub3A_218 = arith.subf %reduce_max3A_215, %reduce_min3A_211 : f32
    %broadcast_in_dim3A_219 = vector.broadcast %sub3A_218 : f32 to vector<16xf32>
    %div3A_220 = arith.divf %broadcast_in_dim3A_217, %broadcast_in_dim3A_219 : vector<16xf32>
    %broadcast_in_dim3A_221 = arith.constant 9 : i32
    %broadcast_in_dim3A_222 = vector.broadcast %broadcast_in_dim3A_221 : i32 to vector<16xi32>
    %broadcast_in_dim3A_223 = vector.broadcast %reduce_min3A_211 : f32 to vector<16xf32>
    tpu.vector_store_idx %arg8[%broadcast_in_dim3A_222], %broadcast_in_dim3A_223 : memref<16xf32, #tpu.memory_space<vmem>>[vector<16xi32>], vector<16xf32>,
    tpu.vector_store_idx %arg9[%broadcast_in_dim3A_222], %div3A_220 : memref<16xf32, #tpu.memory_space<vmem>>[vector<16xi32>], vector<16xf32>,
    %dma_wait3A_224 = tpu.memref_slice %arg3[%mul3A_5] : memref<49152xf32, #tpu.memory_space<hbm>> -> memref<1536xf32, #tpu.memory_space<hbm>>
    %dma_wait3A_225 = tpu.memref_slice %arg3[%mul3A_5] : memref<49152xf32, #tpu.memory_space<hbm>> -> memref<1536xf32, #tpu.memory_space<hbm>>
    tpu.wait_dma2 semaphore(%arg16 : memref<!tpu.dma_semaphore, #tpu.memory_space<semaphore_mem>>) src(%dma_wait3A_225 : memref<1536xf32, #tpu.memory_space<hbm>>) dst(%arg6 : memref<1536xf32, #tpu.memory_space<vmem>>)
    %parallel_loop3A_226 = arith.constant 0 : i32
    %parallel_loop3A_227 = arith.constant 32 : i32
    %parallel_loop3A_228 = arith.constant 1 : i32
    scf.for %parallel_loop3A_238 = %parallel_loop3A_226 to %parallel_loop3A_227 step %parallel_loop3A_228  : i32 {
      %parallel_loop3A_239 = arith.constant 16 : i32
      %parallel_loop3A_240 = arith.muli %parallel_loop3A_238, %parallel_loop3A_239 : i32
      %parallel_loop3A_241 = vector.broadcast %parallel_loop3A_240 : i32 to vector<16xi32>
      %parallel_loop3A_242 = arith.addi %parallel_loop3A_241, %iota3A : vector<16xi32>
      %parallel_loop3A_243 = arith.constant 3 : i32
      %parallel_loop3A_244 = vector.broadcast %parallel_loop3A_243 : i32 to vector<16xi32>
      %parallel_loop3A_245 = arith.muli %parallel_loop3A_242, %parallel_loop3A_244 : vector<16xi32>
      %parallel_loop3A_246 = arith.constant 1 : i32
      %parallel_loop3A_247 = vector.broadcast %parallel_loop3A_246 : i32 to vector<16xi32>
      %parallel_loop3A_248 = arith.addi %parallel_loop3A_245, %parallel_loop3A_247 : vector<16xi32>
      %parallel_loop3A_249 = tpu.vector_load_idx %arg6[%parallel_loop3A_248] : memref<1536xf32, #tpu.memory_space<vmem>>[vector<16xi32>], vector<16xf32>,
      %parallel_loop3A_250 = arith.fptosi %parallel_loop3A_249 : vector<16xf32> to vector<16xi32>
      %parallel_loop3A_251 = arith.constant 8000 : i32
      %parallel_loop3A_252 = vector.broadcast %parallel_loop3A_251 : i32 to vector<16xi32>
      %parallel_loop3A_253 = arith.muli %parallel_loop3A_250, %parallel_loop3A_252 : vector<16xi32>
      %parallel_loop3A_254 = arith.addi %parallel_loop3A_253, %iota3A : vector<16xi32>
      %parallel_loop3A_255 = arith.constant 16 : i32
      %parallel_loop3A_256 = arith.muli %parallel_loop3A_238, %parallel_loop3A_255 : i32
      %parallel_loop3A_257 = arith.index_cast %parallel_loop3A_256 : i32 to index
      %parallel_loop3A_258 = tpu.vector_load %arg7[%parallel_loop3A_257] {strides = array<i32>} : memref<512xi32, #tpu.memory_space<vmem>>, vector<16xi32>,
      tpu.vector_store %arg7[%parallel_loop3A_257], %parallel_loop3A_254 {strides = array<i32>} : memref<512xi32, #tpu.memory_space<vmem>>, vector<16xi32>,
    } {sc.loop_unroll_factor = 4 : i64, sc.parallel_access}
    %scan3A_229 = arith.constant 0 : i32
    %scan3A_230 = arith.constant 0 : i32
    %scan3A_231 = arith.constant 10 : i32
    %scan3A_232 = arith.addi %scan3A_230, %scan3A_231 : i32
    %scan3A_233 = arith.constant 1 : i32
    scf.for %scan3A_238 = %scan3A_230 to %scan3A_232 step %scan3A_233  : i32 {
      %broadcast_in_dim3A_239 = vector.broadcast %scan3A_238 : i32 to vector<16xi32>
      %gather3A = tpu.vector_load_idx %arg8[%broadcast_in_dim3A_239] : memref<16xf32, #tpu.memory_space<vmem>>[vector<16xi32>], vector<16xf32>,
      %gather3A_240 = tpu.vector_load_idx %arg9[%broadcast_in_dim3A_239] : memref<16xf32, #tpu.memory_space<vmem>>[vector<16xi32>], vector<16xf32>,
      %mul3A_241 = arith.constant 50 : i32
      %mul3A_242 = arith.muli %scan3A_238, %mul3A_241 : i32
      %mul3A_243 = arith.constant 16 : i32
      %mul3A_244 = arith.muli %mul3A_242, %mul3A_243 : i32
      %parallel_loop3A_245 = arith.constant 0 : i32
      %parallel_loop3A_246 = arith.constant 32 : i32
      %parallel_loop3A_247 = arith.constant 1 : i32
      scf.for %parallel_loop3A_248 = %parallel_loop3A_245 to %parallel_loop3A_246 step %parallel_loop3A_247  : i32 {
        %parallel_loop3A_249 = arith.constant 512 : i32
        %parallel_loop3A_250 = arith.muli %arg0, %parallel_loop3A_249 : i32
        %parallel_loop3A_251 = arith.constant 16 : i32
        %parallel_loop3A_252 = arith.muli %parallel_loop3A_248, %parallel_loop3A_251 : i32
        %parallel_loop3A_253 = arith.addi %parallel_loop3A_250, %parallel_loop3A_252 : i32
        %parallel_loop3A_254 = vector.broadcast %parallel_loop3A_253 : i32 to vector<16xi32>
        %parallel_loop3A_255 = arith.addi %parallel_loop3A_254, %iota3A : vector<16xi32>
        %parallel_loop3A_256 = arith.constant 10 : i32
        %parallel_loop3A_257 = vector.broadcast %parallel_loop3A_256 : i32 to vector<16xi32>
        %parallel_loop3A_258 = arith.muli %parallel_loop3A_255, %parallel_loop3A_257 : vector<16xi32>
        %parallel_loop3A_259 = arith.addi %parallel_loop3A_258, %broadcast_in_dim3A_239 : vector<16xi32>
        %parallel_loop3A_260 = tpu.vector_load_idx %arg5[%parallel_loop3A_259] : memref<10240xf32, #tpu.memory_space<vmem>>[vector<16xi32>], vector<16xf32>,
        %parallel_loop3A_261 = arith.constant 16 : i32
        %parallel_loop3A_262 = arith.muli %parallel_loop3A_248, %parallel_loop3A_261 : i32
        %parallel_loop3A_263 = arith.index_cast %parallel_loop3A_262 : i32 to index
        %parallel_loop3A_264 = tpu.vector_load %arg7[%parallel_loop3A_263] {strides = array<i32>} : memref<512xi32, #tpu.memory_space<vmem>>, vector<16xi32>,
        %parallel_loop3A_265 = arith.subf %parallel_loop3A_260, %gather3A : vector<16xf32>
        %parallel_loop3A_266 = arith.mulf %parallel_loop3A_265, %gather3A_240 : vector<16xf32>
        %parallel_loop3A_267 = arith.fptosi %parallel_loop3A_266 : vector<16xf32> to vector<16xi32>
        %parallel_loop3A_268 = arith.constant 0 : i32
        %parallel_loop3A_269 = arith.constant 49 : i32
        %parallel_loop3A_270 = vector.broadcast %parallel_loop3A_268 : i32 to vector<16xi32>
        %parallel_loop3A_271 = arith.maxsi %parallel_loop3A_270, %parallel_loop3A_267 : vector<16xi32>
        %parallel_loop3A_272 = vector.broadcast %parallel_loop3A_269 : i32 to vector<16xi32>
        %parallel_loop3A_273 = arith.minsi %parallel_loop3A_272, %parallel_loop3A_271 : vector<16xi32>
        %parallel_loop3A_274 = vector.broadcast %mul3A_244 : i32 to vector<16xi32>
        %parallel_loop3A_275 = arith.addi %parallel_loop3A_264, %parallel_loop3A_274 : vector<16xi32>
        %parallel_loop3A_276 = arith.constant 16 : i32
        %parallel_loop3A_277 = vector.broadcast %parallel_loop3A_276 : i32 to vector<16xi32>
        %parallel_loop3A_278 = arith.muli %parallel_loop3A_273, %parallel_loop3A_277 : vector<16xi32>
        %parallel_loop3A_279 = arith.addi %parallel_loop3A_275, %parallel_loop3A_278 : vector<16xi32>
        tpu.vector_store_idx %arg12[%parallel_loop3A_279], %broadcast_in_dim3A_8 {add = true} : memref<16384xf32, #tpu.memory_space<vmem>>[vector<16xi32>], vector<16xf32>,
      } {sc.loop_unroll_factor = 4 : i64, sc.parallel_access}
    }
    %scan3A_234 = arith.constant 10 : i32
    %parallel_loop3A_235 = arith.constant 0 : i32
    %parallel_loop3A_236 = arith.constant 64 : i32
    %parallel_loop3A_237 = arith.constant 1 : i32
    scf.for %parallel_loop3A_238 = %parallel_loop3A_235 to %parallel_loop3A_236 step %parallel_loop3A_237  : i32 {
      %parallel_loop3A_239 = arith.constant 256 : i32
      %parallel_loop3A_240 = arith.muli %parallel_loop3A_238, %parallel_loop3A_239 : i32
      %parallel_loop3A_241 = arith.constant 16 : i32
      %parallel_loop3A_242 = vector.broadcast %parallel_loop3A_241 : i32 to vector<16xi32>
      %parallel_loop3A_243 = arith.muli %iota3A, %parallel_loop3A_242 : vector<16xi32>
      %parallel_loop3A_244 = vector.broadcast %parallel_loop3A_240 : i32 to vector<16xi32>
      %parallel_loop3A_245 = arith.addi %parallel_loop3A_244, %parallel_loop3A_243 : vector<16xi32>
      %parallel_loop3A_246 = arith.constant 0.000000e+00 : f32
      %parallel_loop3A_247 = vector.broadcast %parallel_loop3A_246 : f32 to vector<16xf32>
      %parallel_loop3A_248 = arith.constant 0 : i32
      %parallel_loop3A_249 = vector.broadcast %parallel_loop3A_248 : i32 to vector<16xi32>
      %parallel_loop3A_250 = arith.addi %iota3A, %parallel_loop3A_249 : vector<16xi32>
      %parallel_loop3A_251 = arith.constant 15 : i32
      %parallel_loop3A_252 = vector.broadcast %parallel_loop3A_251 : i32 to vector<16xi32>
      %parallel_loop3A_253 = arith.andi %parallel_loop3A_250, %parallel_loop3A_252 : vector<16xi32>
      %parallel_loop3A_254 = arith.addi %parallel_loop3A_245, %parallel_loop3A_253 : vector<16xi32>
      %parallel_loop3A_255 = tpu.vector_load_idx %arg12[%parallel_loop3A_254] : memref<16384xf32, #tpu.memory_space<vmem>>[vector<16xi32>], vector<16xf32>,
      %parallel_loop3A_256 = arith.addf %parallel_loop3A_247, %parallel_loop3A_255 : vector<16xf32>
      %parallel_loop3A_257 = arith.constant 1 : i32
      %parallel_loop3A_258 = vector.broadcast %parallel_loop3A_257 : i32 to vector<16xi32>
      %parallel_loop3A_259 = arith.addi %iota3A, %parallel_loop3A_258 : vector<16xi32>
      %parallel_loop3A_260 = arith.constant 15 : i32
      %parallel_loop3A_261 = vector.broadcast %parallel_loop3A_260 : i32 to vector<16xi32>
      %parallel_loop3A_262 = arith.andi %parallel_loop3A_259, %parallel_loop3A_261 : vector<16xi32>
      %parallel_loop3A_263 = arith.addi %parallel_loop3A_245, %parallel_loop3A_262 : vector<16xi32>
      %parallel_loop3A_264 = tpu.vector_load_idx %arg12[%parallel_loop3A_263] : memref<16384xf32, #tpu.memory_space<vmem>>[vector<16xi32>], vector<16xf32>,
      %parallel_loop3A_265 = arith.addf %parallel_loop3A_256, %parallel_loop3A_264 : vector<16xf32>
      %parallel_loop3A_266 = arith.constant 2 : i32
      %parallel_loop3A_267 = vector.broadcast %parallel_loop3A_266 : i32 to vector<16xi32>
      %parallel_loop3A_268 = arith.addi %iota3A, %parallel_loop3A_267 : vector<16xi32>
      %parallel_loop3A_269 = arith.constant 15 : i32
      %parallel_loop3A_270 = vector.broadcast %parallel_loop3A_269 : i32 to vector<16xi32>
      %parallel_loop3A_271 = arith.andi %parallel_loop3A_268, %parallel_loop3A_270 : vector<16xi32>
      %parallel_loop3A_272 = arith.addi %parallel_loop3A_245, %parallel_loop3A_271 : vector<16xi32>
      %parallel_loop3A_273 = tpu.vector_load_idx %arg12[%parallel_loop3A_272] : memref<16384xf32, #tpu.memory_space<vmem>>[vector<16xi32>], vector<16xf32>,
      %parallel_loop3A_274 = arith.addf %parallel_loop3A_265, %parallel_loop3A_273 : vector<16xf32>
      %parallel_loop3A_275 = arith.constant 3 : i32
      %parallel_loop3A_276 = vector.broadcast %parallel_loop3A_275 : i32 to vector<16xi32>
      %parallel_loop3A_277 = arith.addi %iota3A, %parallel_loop3A_276 : vector<16xi32>
      %parallel_loop3A_278 = arith.constant 15 : i32
      %parallel_loop3A_279 = vector.broadcast %parallel_loop3A_278 : i32 to vector<16xi32>
      %parallel_loop3A_280 = arith.andi %parallel_loop3A_277, %parallel_loop3A_279 : vector<16xi32>
      %parallel_loop3A_281 = arith.addi %parallel_loop3A_245, %parallel_loop3A_280 : vector<16xi32>
      %parallel_loop3A_282 = tpu.vector_load_idx %arg12[%parallel_loop3A_281] : memref<16384xf32, #tpu.memory_space<vmem>>[vector<16xi32>], vector<16xf32>,
      %parallel_loop3A_283 = arith.addf %parallel_loop3A_274, %parallel_loop3A_282 : vector<16xf32>
      %parallel_loop3A_284 = arith.constant 4 : i32
      %parallel_loop3A_285 = vector.broadcast %parallel_loop3A_284 : i32 to vector<16xi32>
      %parallel_loop3A_286 = arith.addi %iota3A, %parallel_loop3A_285 : vector<16xi32>
      %parallel_loop3A_287 = arith.constant 15 : i32
      %parallel_loop3A_288 = vector.broadcast %parallel_loop3A_287 : i32 to vector<16xi32>
      %parallel_loop3A_289 = arith.andi %parallel_loop3A_286, %parallel_loop3A_288 : vector<16xi32>
      %parallel_loop3A_290 = arith.addi %parallel_loop3A_245, %parallel_loop3A_289 : vector<16xi32>
      %parallel_loop3A_291 = tpu.vector_load_idx %arg12[%parallel_loop3A_290] : memref<16384xf32, #tpu.memory_space<vmem>>[vector<16xi32>], vector<16xf32>,
      %parallel_loop3A_292 = arith.addf %parallel_loop3A_283, %parallel_loop3A_291 : vector<16xf32>
      %parallel_loop3A_293 = arith.constant 5 : i32
      %parallel_loop3A_294 = vector.broadcast %parallel_loop3A_293 : i32 to vector<16xi32>
      %parallel_loop3A_295 = arith.addi %iota3A, %parallel_loop3A_294 : vector<16xi32>
      %parallel_loop3A_296 = arith.constant 15 : i32
      %parallel_loop3A_297 = vector.broadcast %parallel_loop3A_296 : i32 to vector<16xi32>
      %parallel_loop3A_298 = arith.andi %parallel_loop3A_295, %parallel_loop3A_297 : vector<16xi32>
      %parallel_loop3A_299 = arith.addi %parallel_loop3A_245, %parallel_loop3A_298 : vector<16xi32>
      %parallel_loop3A_300 = tpu.vector_load_idx %arg12[%parallel_loop3A_299] : memref<16384xf32, #tpu.memory_space<vmem>>[vector<16xi32>], vector<16xf32>,
      %parallel_loop3A_301 = arith.addf %parallel_loop3A_292, %parallel_loop3A_300 : vector<16xf32>
      %parallel_loop3A_302 = arith.constant 6 : i32
      %parallel_loop3A_303 = vector.broadcast %parallel_loop3A_302 : i32 to vector<16xi32>
      %parallel_loop3A_304 = arith.addi %iota3A, %parallel_loop3A_303 : vector<16xi32>
      %parallel_loop3A_305 = arith.constant 15 : i32
      %parallel_loop3A_306 = vector.broadcast %parallel_loop3A_305 : i32 to vector<16xi32>
      %parallel_loop3A_307 = arith.andi %parallel_loop3A_304, %parallel_loop3A_306 : vector<16xi32>
      %parallel_loop3A_308 = arith.addi %parallel_loop3A_245, %parallel_loop3A_307 : vector<16xi32>
      %parallel_loop3A_309 = tpu.vector_load_idx %arg12[%parallel_loop3A_308] : memref<16384xf32, #tpu.memory_space<vmem>>[vector<16xi32>], vector<16xf32>,
      %parallel_loop3A_310 = arith.addf %parallel_loop3A_301, %parallel_loop3A_309 : vector<16xf32>
      %parallel_loop3A_311 = arith.constant 7 : i32
      %parallel_loop3A_312 = vector.broadcast %parallel_loop3A_311 : i32 to vector<16xi32>
      %parallel_loop3A_313 = arith.addi %iota3A, %parallel_loop3A_312 : vector<16xi32>
      %parallel_loop3A_314 = arith.constant 15 : i32
      %parallel_loop3A_315 = vector.broadcast %parallel_loop3A_314 : i32 to vector<16xi32>
      %parallel_loop3A_316 = arith.andi %parallel_loop3A_313, %parallel_loop3A_315 : vector<16xi32>
      %parallel_loop3A_317 = arith.addi %parallel_loop3A_245, %parallel_loop3A_316 : vector<16xi32>
      %parallel_loop3A_318 = tpu.vector_load_idx %arg12[%parallel_loop3A_317] : memref<16384xf32, #tpu.memory_space<vmem>>[vector<16xi32>], vector<16xf32>,
      %parallel_loop3A_319 = arith.addf %parallel_loop3A_310, %parallel_loop3A_318 : vector<16xf32>
      %parallel_loop3A_320 = arith.constant 8 : i32
      %parallel_loop3A_321 = vector.broadcast %parallel_loop3A_320 : i32 to vector<16xi32>
      %parallel_loop3A_322 = arith.addi %iota3A, %parallel_loop3A_321 : vector<16xi32>
      %parallel_loop3A_323 = arith.constant 15 : i32
      %parallel_loop3A_324 = vector.broadcast %parallel_loop3A_323 : i32 to vector<16xi32>
      %parallel_loop3A_325 = arith.andi %parallel_loop3A_322, %parallel_loop3A_324 : vector<16xi32>
      %parallel_loop3A_326 = arith.addi %parallel_loop3A_245, %parallel_loop3A_325 : vector<16xi32>
      %parallel_loop3A_327 = tpu.vector_load_idx %arg12[%parallel_loop3A_326] : memref<16384xf32, #tpu.memory_space<vmem>>[vector<16xi32>], vector<16xf32>,
      %parallel_loop3A_328 = arith.addf %parallel_loop3A_319, %parallel_loop3A_327 : vector<16xf32>
      %parallel_loop3A_329 = arith.constant 9 : i32
      %parallel_loop3A_330 = vector.broadcast %parallel_loop3A_329 : i32 to vector<16xi32>
      %parallel_loop3A_331 = arith.addi %iota3A, %parallel_loop3A_330 : vector<16xi32>
      %parallel_loop3A_332 = arith.constant 15 : i32
      %parallel_loop3A_333 = vector.broadcast %parallel_loop3A_332 : i32 to vector<16xi32>
      %parallel_loop3A_334 = arith.andi %parallel_loop3A_331, %parallel_loop3A_333 : vector<16xi32>
      %parallel_loop3A_335 = arith.addi %parallel_loop3A_245, %parallel_loop3A_334 : vector<16xi32>
      %parallel_loop3A_336 = tpu.vector_load_idx %arg12[%parallel_loop3A_335] : memref<16384xf32, #tpu.memory_space<vmem>>[vector<16xi32>], vector<16xf32>,
      %parallel_loop3A_337 = arith.addf %parallel_loop3A_328, %parallel_loop3A_336 : vector<16xf32>
      %parallel_loop3A_338 = arith.constant 10 : i32
      %parallel_loop3A_339 = vector.broadcast %parallel_loop3A_338 : i32 to vector<16xi32>
      %parallel_loop3A_340 = arith.addi %iota3A, %parallel_loop3A_339 : vector<16xi32>
      %parallel_loop3A_341 = arith.constant 15 : i32
      %parallel_loop3A_342 = vector.broadcast %parallel_loop3A_341 : i32 to vector<16xi32>
      %parallel_loop3A_343 = arith.andi %parallel_loop3A_340, %parallel_loop3A_342 : vector<16xi32>
      %parallel_loop3A_344 = arith.addi %parallel_loop3A_245, %parallel_loop3A_343 : vector<16xi32>
      %parallel_loop3A_345 = tpu.vector_load_idx %arg12[%parallel_loop3A_344] : memref<16384xf32, #tpu.memory_space<vmem>>[vector<16xi32>], vector<16xf32>,
      %parallel_loop3A_346 = arith.addf %parallel_loop3A_337, %parallel_loop3A_345 : vector<16xf32>
      %parallel_loop3A_347 = arith.constant 11 : i32
      %parallel_loop3A_348 = vector.broadcast %parallel_loop3A_347 : i32 to vector<16xi32>
      %parallel_loop3A_349 = arith.addi %iota3A, %parallel_loop3A_348 : vector<16xi32>
      %parallel_loop3A_350 = arith.constant 15 : i32
      %parallel_loop3A_351 = vector.broadcast %parallel_loop3A_350 : i32 to vector<16xi32>
      %parallel_loop3A_352 = arith.andi %parallel_loop3A_349, %parallel_loop3A_351 : vector<16xi32>
      %parallel_loop3A_353 = arith.addi %parallel_loop3A_245, %parallel_loop3A_352 : vector<16xi32>
      %parallel_loop3A_354 = tpu.vector_load_idx %arg12[%parallel_loop3A_353] : memref<16384xf32, #tpu.memory_space<vmem>>[vector<16xi32>], vector<16xf32>,
      %parallel_loop3A_355 = arith.addf %parallel_loop3A_346, %parallel_loop3A_354 : vector<16xf32>
      %parallel_loop3A_356 = arith.constant 12 : i32
      %parallel_loop3A_357 = vector.broadcast %parallel_loop3A_356 : i32 to vector<16xi32>
      %parallel_loop3A_358 = arith.addi %iota3A, %parallel_loop3A_357 : vector<16xi32>
      %parallel_loop3A_359 = arith.constant 15 : i32
      %parallel_loop3A_360 = vector.broadcast %parallel_loop3A_359 : i32 to vector<16xi32>
      %parallel_loop3A_361 = arith.andi %parallel_loop3A_358, %parallel_loop3A_360 : vector<16xi32>
      %parallel_loop3A_362 = arith.addi %parallel_loop3A_245, %parallel_loop3A_361 : vector<16xi32>
      %parallel_loop3A_363 = tpu.vector_load_idx %arg12[%parallel_loop3A_362] : memref<16384xf32, #tpu.memory_space<vmem>>[vector<16xi32>], vector<16xf32>,
      %parallel_loop3A_364 = arith.addf %parallel_loop3A_355, %parallel_loop3A_363 : vector<16xf32>
      %parallel_loop3A_365 = arith.constant 13 : i32
      %parallel_loop3A_366 = vector.broadcast %parallel_loop3A_365 : i32 to vector<16xi32>
      %parallel_loop3A_367 = arith.addi %iota3A, %parallel_loop3A_366 : vector<16xi32>
      %parallel_loop3A_368 = arith.constant 15 : i32
      %parallel_loop3A_369 = vector.broadcast %parallel_loop3A_368 : i32 to vector<16xi32>
      %parallel_loop3A_370 = arith.andi %parallel_loop3A_367, %parallel_loop3A_369 : vector<16xi32>
      %parallel_loop3A_371 = arith.addi %parallel_loop3A_245, %parallel_loop3A_370 : vector<16xi32>
      %parallel_loop3A_372 = tpu.vector_load_idx %arg12[%parallel_loop3A_371] : memref<16384xf32, #tpu.memory_space<vmem>>[vector<16xi32>], vector<16xf32>,
      %parallel_loop3A_373 = arith.addf %parallel_loop3A_364, %parallel_loop3A_372 : vector<16xf32>
      %parallel_loop3A_374 = arith.constant 14 : i32
      %parallel_loop3A_375 = vector.broadcast %parallel_loop3A_374 : i32 to vector<16xi32>
      %parallel_loop3A_376 = arith.addi %iota3A, %parallel_loop3A_375 : vector<16xi32>
      %parallel_loop3A_377 = arith.constant 15 : i32
      %parallel_loop3A_378 = vector.broadcast %parallel_loop3A_377 : i32 to vector<16xi32>
      %parallel_loop3A_379 = arith.andi %parallel_loop3A_376, %parallel_loop3A_378 : vector<16xi32>
      %parallel_loop3A_380 = arith.addi %parallel_loop3A_245, %parallel_loop3A_379 : vector<16xi32>
      %parallel_loop3A_381 = tpu.vector_load_idx %arg12[%parallel_loop3A_380] : memref<16384xf32, #tpu.memory_space<vmem>>[vector<16xi32>], vector<16xf32>,
      %parallel_loop3A_382 = arith.addf %parallel_loop3A_373, %parallel_loop3A_381 : vector<16xf32>
      %parallel_loop3A_383 = arith.constant 15 : i32
      %parallel_loop3A_384 = vector.broadcast %parallel_loop3A_383 : i32 to vector<16xi32>
      %parallel_loop3A_385 = arith.addi %iota3A, %parallel_loop3A_384 : vector<16xi32>
      %parallel_loop3A_386 = arith.constant 15 : i32
      %parallel_loop3A_387 = vector.broadcast %parallel_loop3A_386 : i32 to vector<16xi32>
      %parallel_loop3A_388 = arith.andi %parallel_loop3A_385, %parallel_loop3A_387 : vector<16xi32>
      %parallel_loop3A_389 = arith.addi %parallel_loop3A_245, %parallel_loop3A_388 : vector<16xi32>
      %parallel_loop3A_390 = tpu.vector_load_idx %arg12[%parallel_loop3A_389] : memref<16384xf32, #tpu.memory_space<vmem>>[vector<16xi32>], vector<16xf32>,
      %parallel_loop3A_391 = arith.addf %parallel_loop3A_382, %parallel_loop3A_390 : vector<16xf32>
      %parallel_loop3A_392 = arith.constant 16 : i32
      %parallel_loop3A_393 = arith.muli %parallel_loop3A_238, %parallel_loop3A_392 : i32
      %parallel_loop3A_394 = arith.index_cast %parallel_loop3A_393 : i32 to index
      %parallel_loop3A_395 = tpu.vector_load %arg13[%parallel_loop3A_394] {strides = array<i32>} : memref<1024xf32, #tpu.memory_space<vmem>>, vector<16xf32>,
      tpu.vector_store %arg13[%parallel_loop3A_394], %parallel_loop3A_391 {strides = array<i32>} : memref<1024xf32, #tpu.memory_space<vmem>>, vector<16xf32>,
    } {sc.loop_unroll_factor = 2 : i64, sc.parallel_access}
    "tpu.region"() ({
      %run_scoped3A = tpu.sem_alloc : memref<!tpu.dma_semaphore, #tpu.memory_space<semaphore_mem>>
      %dma_start3A_238 = arith.constant 0 : i32
      %dma_start3A_239 = tpu.memref_slice %arg4[%add3A, %dma_start3A_238] : memref<32x1024xf32, #tpu.memory_space<hbm>> -> memref<1x1024xf32, #tpu.memory_space<hbm>>
      %dma_start3A_240 = tpu.memref_squeeze %dma_start3A_239 : memref<1x1024xf32, #tpu.memory_space<hbm>> -> memref<1024xf32, #tpu.memory_space<hbm>>
      %dma_start3A_241 = arith.constant 0 : i32
      %dma_start3A_242 = tpu.memref_slice %arg4[%add3A, %dma_start3A_241] : memref<32x1024xf32, #tpu.memory_space<hbm>> -> memref<1x1024xf32, #tpu.memory_space<hbm>>
      %dma_start3A_243 = tpu.memref_squeeze %dma_start3A_242 : memref<1x1024xf32, #tpu.memory_space<hbm>> -> memref<1024xf32, #tpu.memory_space<hbm>>
      tpu.enqueue_dma source(%arg13 : memref<1024xf32, #tpu.memory_space<vmem>>) target(%dma_start3A_243 : memref<1024xf32, #tpu.memory_space<hbm>>) target_semaphore(%run_scoped3A : memref<!tpu.dma_semaphore, #tpu.memory_space<semaphore_mem>>)
      %dma_wait3A_244 = arith.constant 0 : i32
      %dma_wait3A_245 = tpu.memref_slice %arg4[%add3A, %dma_wait3A_244] : memref<32x1024xf32, #tpu.memory_space<hbm>> -> memref<1x1024xf32, #tpu.memory_space<hbm>>
      %dma_wait3A_246 = tpu.memref_squeeze %dma_wait3A_245 : memref<1x1024xf32, #tpu.memory_space<hbm>> -> memref<1024xf32, #tpu.memory_space<hbm>>
      %dma_wait3A_247 = arith.constant 0 : i32
      %dma_wait3A_248 = tpu.memref_slice %arg4[%add3A, %dma_wait3A_247] : memref<32x1024xf32, #tpu.memory_space<hbm>> -> memref<1x1024xf32, #tpu.memory_space<hbm>>
      %dma_wait3A_249 = tpu.memref_squeeze %dma_wait3A_248 : memref<1x1024xf32, #tpu.memory_space<hbm>> -> memref<1024xf32, #tpu.memory_space<hbm>>
      tpu.wait_dma2 semaphore(%run_scoped3A : memref<!tpu.dma_semaphore, #tpu.memory_space<semaphore_mem>>) src(%arg13 : memref<1024xf32, #tpu.memory_space<vmem>>) dst(%dma_wait3A_249 : memref<1024xf32, #tpu.memory_space<hbm>>)
      tpu.yield
    }) : () -> ()
    return
  }
}

module attributes {stable_mosaic.version = 14 : i64} {
  func.func @_tc_stats_body(%arg0: i32, %arg1: memref<2048x50xf32, #tpu.memory_space<vmem>>, %arg2: memref<2048x50xf32, #tpu.memory_space<vmem>>, %arg3: memref<1x128xf32, #tpu.memory_space<vmem>>, %arg4: memref<1x128xf32, #tpu.memory_space<vmem>>) attributes {dimension_semantics = [#tpu.dimension_semantics<arbitrary>], iteration_bounds = array<i64: 8>, scalar_prefetch = 0 : i64, scratch_operands = 0 : i64, tpu.core_type = #tpu.core_type<tc>, window_params = [{transform_indices = @transform_0, window_bounds = array<i64: 2048, 50>}, {transform_indices = @transform_1, window_bounds = array<i64: 2048, 50>}, {pipeline_mode = #tpu.pipeline_mode<synchronous>, transform_indices = @transform_2, window_bounds = array<i64: 1, 128>}, {pipeline_mode = #tpu.pipeline_mode<synchronous>, transform_indices = @transform_3, window_bounds = array<i64: 1, 128>}]} {
    %get3A = arith.constant 0 : index
    %get3A_0 = arith.constant 0 : index
    %get3A_1 = vector.load %arg1[%get3A, %get3A_0] : memref<2048x50xf32, #tpu.memory_space<vmem>>, vector<2048x50xf32>
    %get3A_2 = arith.constant 0 : index
    %get3A_3 = arith.constant 0 : index
    %get3A_4 = vector.load %arg2[%get3A_2, %get3A_3] : memref<2048x50xf32, #tpu.memory_space<vmem>>, vector<2048x50xf32>
    %slice3A = vector.extract_strided_slice %get3A_1 {offsets = [0, 0], sizes = [2048, 7], strides = [1, 1]} : vector<2048x50xf32> to vector<2048x7xf32>
    %slice3A_5 = vector.extract_strided_slice %get3A_4 {offsets = [0, 0], sizes = [2048, 7], strides = [1, 1]} : vector<2048x50xf32> to vector<2048x7xf32>
    %sub3A = arith.subf %slice3A, %slice3A_5 : vector<2048x7xf32>
    %mul3A = arith.mulf %sub3A, %sub3A : vector<2048x7xf32>
    %reduce_sum3A = vector.shape_cast %mul3A : vector<2048x7xf32> to vector<1x2048x7xf32>
    %reduce_sum3A_6 = arith.constant dense<0.000000e+00> : vector<1xf32>
    %reduce_sum3A_7 = vector.multi_reduction <add>, %reduce_sum3A, %reduce_sum3A_6 [1, 2] : vector<1x2048x7xf32> to vector<1xf32>
    %reduce_sum3A_8 = vector.shape_cast %reduce_sum3A_7 : vector<1xf32> to vector<1x1x1xf32>
    %reduce_sum3A_9 = vector.extract %reduce_sum3A_8[0, 0, 0] : f32 from vector<1x1x1xf32>
    %reduce_max3A = arith.constant dense<0xFF800000> : vector<2048xf32>
    %reduce_max3A_10 = vector.multi_reduction <maximumf>, %get3A_1, %reduce_max3A [1] : vector<2048x50xf32> to vector<2048xf32>
    %broadcast_in_dim3A = vector.shape_cast %reduce_max3A_10 : vector<2048xf32> to vector<2048x1xf32>
    %sub3A_11 = vector.broadcast %broadcast_in_dim3A : vector<2048x1xf32> to vector<2048x50xf32>
    %sub3A_12 = arith.subf %get3A_1, %sub3A_11 : vector<2048x50xf32>
    %exp3A = math.exp %sub3A_12 : vector<2048x50xf32>
    %slice3A_13 = vector.extract_strided_slice %exp3A {offsets = [0, 7], sizes = [2048, 43], strides = [1, 1]} : vector<2048x50xf32> to vector<2048x43xf32>
    %iota3A = tpu.iota {dimensions = array<i32: 0>} : vector<43x9xi32>
    %add3A = arith.constant 7 : i32
    %add3A_14 = vector.broadcast %add3A : i32 to vector<43x9xi32>
    %add3A_15 = arith.addi %iota3A, %add3A_14 : vector<43x9xi32>
    %ge3A = arith.constant 7 : i32
    %ge3A_16 = vector.broadcast %ge3A : i32 to vector<43x9xi32>
    %ge3A_17 = arith.cmpi sge, %add3A_15, %ge3A_16 : vector<43x9xi32>
    %convert_element_type3A = arith.extui %ge3A_17 : vector<43x9xi1> to vector<43x9xi32>
    %add3A_18 = arith.constant 0 : i32
    %add3A_19 = vector.broadcast %add3A_18 : i32 to vector<43x9xi32>
    %add3A_20 = arith.addi %add3A_19, %convert_element_type3A : vector<43x9xi32>
    %ge3A_21 = arith.constant 19 : i32
    %ge3A_22 = vector.broadcast %ge3A_21 : i32 to vector<43x9xi32>
    %ge3A_23 = arith.cmpi sge, %add3A_15, %ge3A_22 : vector<43x9xi32>
    %convert_element_type3A_24 = arith.extui %ge3A_23 : vector<43x9xi1> to vector<43x9xi32>
    %add3A_25 = arith.addi %add3A_20, %convert_element_type3A_24 : vector<43x9xi32>
    %ge3A_26 = arith.constant 21 : i32
    %ge3A_27 = vector.broadcast %ge3A_26 : i32 to vector<43x9xi32>
    %ge3A_28 = arith.cmpi sge, %add3A_15, %ge3A_27 : vector<43x9xi32>
    %convert_element_type3A_29 = arith.extui %ge3A_28 : vector<43x9xi1> to vector<43x9xi32>
    %add3A_30 = arith.addi %add3A_25, %convert_element_type3A_29 : vector<43x9xi32>
    %ge3A_31 = arith.constant 25 : i32
    %ge3A_32 = vector.broadcast %ge3A_31 : i32 to vector<43x9xi32>
    %ge3A_33 = arith.cmpi sge, %add3A_15, %ge3A_32 : vector<43x9xi32>
    %convert_element_type3A_34 = arith.extui %ge3A_33 : vector<43x9xi1> to vector<43x9xi32>
    %add3A_35 = arith.addi %add3A_30, %convert_element_type3A_34 : vector<43x9xi32>
    %ge3A_36 = arith.constant 27 : i32
    %ge3A_37 = vector.broadcast %ge3A_36 : i32 to vector<43x9xi32>
    %ge3A_38 = arith.cmpi sge, %add3A_15, %ge3A_37 : vector<43x9xi32>
    %convert_element_type3A_39 = arith.extui %ge3A_38 : vector<43x9xi1> to vector<43x9xi32>
    %add3A_40 = arith.addi %add3A_35, %convert_element_type3A_39 : vector<43x9xi32>
    %ge3A_41 = arith.constant 29 : i32
    %ge3A_42 = vector.broadcast %ge3A_41 : i32 to vector<43x9xi32>
    %ge3A_43 = arith.cmpi sge, %add3A_15, %ge3A_42 : vector<43x9xi32>
    %convert_element_type3A_44 = arith.extui %ge3A_43 : vector<43x9xi1> to vector<43x9xi32>
    %add3A_45 = arith.addi %add3A_40, %convert_element_type3A_44 : vector<43x9xi32>
    %ge3A_46 = arith.constant 31 : i32
    %ge3A_47 = vector.broadcast %ge3A_46 : i32 to vector<43x9xi32>
    %ge3A_48 = arith.cmpi sge, %add3A_15, %ge3A_47 : vector<43x9xi32>
    %convert_element_type3A_49 = arith.extui %ge3A_48 : vector<43x9xi1> to vector<43x9xi32>
    %add3A_50 = arith.addi %add3A_45, %convert_element_type3A_49 : vector<43x9xi32>
    %ge3A_51 = arith.constant 34 : i32
    %ge3A_52 = vector.broadcast %ge3A_51 : i32 to vector<43x9xi32>
    %ge3A_53 = arith.cmpi sge, %add3A_15, %ge3A_52 : vector<43x9xi32>
    %convert_element_type3A_54 = arith.extui %ge3A_53 : vector<43x9xi1> to vector<43x9xi32>
    %add3A_55 = arith.addi %add3A_50, %convert_element_type3A_54 : vector<43x9xi32>
    %ge3A_56 = arith.constant 38 : i32
    %ge3A_57 = vector.broadcast %ge3A_56 : i32 to vector<43x9xi32>
    %ge3A_58 = arith.cmpi sge, %add3A_15, %ge3A_57 : vector<43x9xi32>
    %convert_element_type3A_59 = arith.extui %ge3A_58 : vector<43x9xi1> to vector<43x9xi32>
    %add3A_60 = arith.addi %add3A_55, %convert_element_type3A_59 : vector<43x9xi32>
    %sub3A_61 = arith.constant 1 : i32
    %sub3A_62 = vector.broadcast %sub3A_61 : i32 to vector<43x9xi32>
    %sub3A_63 = arith.subi %add3A_60, %sub3A_62 : vector<43x9xi32>
    %iota3A_64 = tpu.iota {dimensions = array<i32: 1>} : vector<43x9xi32>
    %eq3A = arith.cmpi eq, %sub3A_63, %iota3A_64 : vector<43x9xi32>
    %convert_element_type3A_65 = arith.extui %eq3A : vector<43x9xi1> to vector<43x9xi32>
    %convert_element_type3A_66 = arith.sitofp %convert_element_type3A_65 : vector<43x9xi32> to vector<43x9xf32>
    %dot_general3A = arith.constant dense<0.000000e+00> : vector<2048x9xf32>
    %dot_general3A_67 = tpu.matmul %slice3A_13, %convert_element_type3A_66, %dot_general3A {dimension_numbers = #tpu.dot_dimension_numbers<[1], [0], [0], [1], [0, 0, 1, 1], [], []>, transpose_lhs_hint = false} : vector<2048x43xf32>, vector<43x9xf32>, vector<2048x9xf32> -> vector<2048x9xf32>
    %log3A = math.log %dot_general3A_67 : vector<2048x9xf32>
    %reduce_sum3A_68 = vector.shape_cast %log3A : vector<2048x9xf32> to vector<1x2048x9xf32>
    %reduce_sum3A_69 = arith.constant dense<0.000000e+00> : vector<1xf32>
    %reduce_sum3A_70 = vector.multi_reduction <add>, %reduce_sum3A_68, %reduce_sum3A_69 [1, 2] : vector<1x2048x9xf32> to vector<1xf32>
    %reduce_sum3A_71 = vector.shape_cast %reduce_sum3A_70 : vector<1xf32> to vector<1x1x1xf32>
    %reduce_sum3A_72 = vector.extract %reduce_sum3A_71[0, 0, 0] : f32 from vector<1x1x1xf32>
    %reduce_sum3A_73 = vector.shape_cast %broadcast_in_dim3A : vector<2048x1xf32> to vector<1x2048x1xf32>
    %reduce_sum3A_74 = arith.constant dense<0.000000e+00> : vector<1xf32>
    %reduce_sum3A_75 = vector.multi_reduction <add>, %reduce_sum3A_73, %reduce_sum3A_74 [1, 2] : vector<1x2048x1xf32> to vector<1xf32>
    %reduce_sum3A_76 = vector.shape_cast %reduce_sum3A_75 : vector<1xf32> to vector<1x1x1xf32>
    %reduce_sum3A_77 = vector.extract %reduce_sum3A_76[0, 0, 0] : f32 from vector<1x1x1xf32>
    %mul3A_78 = arith.constant 9.000000e+00 : f32
    %mul3A_79 = arith.mulf %mul3A_78, %reduce_sum3A_77 : f32
    %add3A_80 = arith.addf %reduce_sum3A_72, %mul3A_79 : f32
    %slice3A_81 = vector.extract_strided_slice %get3A_1 {offsets = [0, 7], sizes = [2048, 43], strides = [1, 1]} : vector<2048x50xf32> to vector<2048x43xf32>
    %slice3A_82 = vector.extract_strided_slice %get3A_4 {offsets = [0, 7], sizes = [2048, 43], strides = [1, 1]} : vector<2048x50xf32> to vector<2048x43xf32>
    %mul3A_83 = arith.mulf %slice3A_81, %slice3A_82 : vector<2048x43xf32>
    %reduce_sum3A_84 = vector.shape_cast %mul3A_83 : vector<2048x43xf32> to vector<1x2048x43xf32>
    %reduce_sum3A_85 = arith.constant dense<0.000000e+00> : vector<1xf32>
    %reduce_sum3A_86 = vector.multi_reduction <add>, %reduce_sum3A_84, %reduce_sum3A_85 [1, 2] : vector<1x2048x43xf32> to vector<1xf32>
    %reduce_sum3A_87 = vector.shape_cast %reduce_sum3A_86 : vector<1xf32> to vector<1x1x1xf32>
    %reduce_sum3A_88 = vector.extract %reduce_sum3A_87[0, 0, 0] : f32 from vector<1x1x1xf32>
    %sub3A_89 = arith.subf %add3A_80, %reduce_sum3A_88 : f32
    %eq3A_90 = arith.constant 0 : i32
    %eq3A_91 = arith.cmpi eq, %arg0, %eq3A_90 : i32
    %convert_element_type3A_92 = arith.extui %eq3A_91 : i1 to i32
    %cond3A = arith.constant 0 : i32
    %cond3A_93 = arith.cmpi ne, %convert_element_type3A_92, %cond3A : i32
    scf.if %cond3A_93 {
      %broadcast_in_dim3A_109 = arith.constant 0.000000e+00 : f32
      %broadcast_in_dim3A_110 = vector.broadcast %broadcast_in_dim3A_109 : f32 to vector<1x128xf32>
      %swap3A_111 = arith.constant 0 : index
      %swap3A_112 = arith.constant 0 : index
      %swap3A_113 = vector.load %arg3[%swap3A_111, %swap3A_112] : memref<1x128xf32, #tpu.memory_space<vmem>>, vector<1x128xf32>
      tpu.vector_store %arg3[%swap3A_111, %swap3A_112], %broadcast_in_dim3A_110 {strides = array<i32>} : memref<1x128xf32, #tpu.memory_space<vmem>>, vector<1x128xf32>,
      %broadcast_in_dim3A_114 = arith.constant 0.000000e+00 : f32
      %broadcast_in_dim3A_115 = vector.broadcast %broadcast_in_dim3A_114 : f32 to vector<1x128xf32>
      %swap3A_116 = arith.constant 0 : index
      %swap3A_117 = arith.constant 0 : index
      %swap3A_118 = vector.load %arg4[%swap3A_116, %swap3A_117] : memref<1x128xf32, #tpu.memory_space<vmem>>, vector<1x128xf32>
      tpu.vector_store %arg4[%swap3A_116, %swap3A_117], %broadcast_in_dim3A_115 {strides = array<i32>} : memref<1x128xf32, #tpu.memory_space<vmem>>, vector<1x128xf32>,
    } else {
    }
    %get3A_94 = arith.constant 0 : index
    %get3A_95 = arith.constant 0 : index
    %get3A_96 = vector.load %arg3[%get3A_94, %get3A_95] : memref<1x128xf32, #tpu.memory_space<vmem>>, vector<1x128xf32>
    %broadcast_in_dim3A_97 = vector.broadcast %reduce_sum3A_9 : f32 to vector<1x128xf32>
    %add3A_98 = arith.addf %get3A_96, %broadcast_in_dim3A_97 : vector<1x128xf32>
    %swap3A = arith.constant 0 : index
    %swap3A_99 = arith.constant 0 : index
    %swap3A_100 = vector.load %arg3[%swap3A, %swap3A_99] : memref<1x128xf32, #tpu.memory_space<vmem>>, vector<1x128xf32>
    tpu.vector_store %arg3[%swap3A, %swap3A_99], %add3A_98 {strides = array<i32>} : memref<1x128xf32, #tpu.memory_space<vmem>>, vector<1x128xf32>,
    %get3A_101 = arith.constant 0 : index
    %get3A_102 = arith.constant 0 : index
    %get3A_103 = vector.load %arg4[%get3A_101, %get3A_102] : memref<1x128xf32, #tpu.memory_space<vmem>>, vector<1x128xf32>
    %broadcast_in_dim3A_104 = vector.broadcast %sub3A_89 : f32 to vector<1x128xf32>
    %add3A_105 = arith.addf %get3A_103, %broadcast_in_dim3A_104 : vector<1x128xf32>
    %swap3A_106 = arith.constant 0 : index
    %swap3A_107 = arith.constant 0 : index
    %swap3A_108 = vector.load %arg4[%swap3A_106, %swap3A_107] : memref<1x128xf32, #tpu.memory_space<vmem>>, vector<1x128xf32>
    tpu.vector_store %arg4[%swap3A_106, %swap3A_107], %add3A_105 {strides = array<i32>} : memref<1x128xf32, #tpu.memory_space<vmem>>, vector<1x128xf32>,
    return
  }
  func.func @transform_0(%arg0: i32) -> (i32, i32) {
    %c0_i32 = arith.constant 0 : i32
    %c0_i32_0 = arith.constant 0 : i32
    return %arg0, %c0_i32 : i32, i32
  }
  func.func @transform_1(%arg0: i32) -> (i32, i32) {
    %c0_i32 = arith.constant 0 : i32
    %c0_i32_0 = arith.constant 0 : i32
    return %arg0, %c0_i32 : i32, i32
  }
  func.func @transform_2(%arg0: i32) -> (i32, i32) {
    %c0_i32 = arith.constant 0 : i32
    %c0_i32_0 = arith.constant 0 : i32
    %c0_i32_1 = arith.constant 0 : i32
    return %c0_i32, %c0_i32_0 : i32, i32
  }
  func.func @transform_3(%arg0: i32) -> (i32, i32) {
    %c0_i32 = arith.constant 0 : i32
    %c0_i32_0 = arith.constant 0 : i32
    %c0_i32_1 = arith.constant 0 : i32
    return %c0_i32, %c0_i32_0 : i32, i32
  }
}

module attributes {stable_mosaic.version = 14 : i64} {
  func.func @_tc_final_body(%arg0: memref<32x1024xf32, #tpu.memory_space<vmem>>, %arg1: memref<1x128xf32, #tpu.memory_space<vmem>>, %arg2: memref<1x128xf32, #tpu.memory_space<vmem>>, %arg3: memref<1x128xf32, #tpu.memory_space<vmem>>, %arg4: memref<1x128xf32, #tpu.memory_space<vmem>>, %arg5: memref<1x128xf32, #tpu.memory_space<vmem>>, %arg6: memref<1x128xf32, #tpu.memory_space<vmem>>) attributes {dimension_semantics = [], scalar_prefetch = 0 : i64, scratch_operands = 0 : i64, tpu.core_type = #tpu.core_type<tc>} {
    %get3A = arith.constant 0 : index
    %get3A_0 = arith.constant 0 : index
    %get3A_1 = vector.load %arg0[%get3A, %get3A_0] : memref<32x1024xf32, #tpu.memory_space<vmem>>, vector<32x1024xf32>
    %reduce_sum3A = arith.constant dense<0.000000e+00> : vector<1024xf32>
    %reduce_sum3A_2 = vector.multi_reduction <add>, %get3A_1, %reduce_sum3A [0] : vector<32x1024xf32> to vector<1024xf32>
    %broadcast_in_dim3A = vector.shape_cast %reduce_sum3A_2 : vector<1024xf32> to vector<1x1024xf32>
    %slice3A = vector.extract_strided_slice %broadcast_in_dim3A {offsets = [0, 0], sizes = [1, 500], strides = [1, 1]} : vector<1x1024xf32> to vector<1x500xf32>
    %slice3A_3 = vector.extract_strided_slice %broadcast_in_dim3A {offsets = [0, 500], sizes = [1, 500], strides = [1, 1]} : vector<1x1024xf32> to vector<1x500xf32>
    %slice3A_4 = vector.extract_strided_slice %slice3A {offsets = [0, 0], sizes = [1, 50], strides = [1, 1]} : vector<1x500xf32> to vector<1x50xf32>
    %reduce_sum3A_5 = vector.shape_cast %slice3A_4 : vector<1x50xf32> to vector<1x1x50xf32>
    %reduce_sum3A_6 = arith.constant dense<0.000000e+00> : vector<1xf32>
    %reduce_sum3A_7 = vector.multi_reduction <add>, %reduce_sum3A_5, %reduce_sum3A_6 [1, 2] : vector<1x1x50xf32> to vector<1xf32>
    %reduce_sum3A_8 = vector.shape_cast %reduce_sum3A_7 : vector<1xf32> to vector<1x1x1xf32>
    %reduce_sum3A_9 = vector.extract %reduce_sum3A_8[0, 0, 0] : f32 from vector<1x1x1xf32>
    %slice3A_10 = vector.extract_strided_slice %slice3A_3 {offsets = [0, 0], sizes = [1, 50], strides = [1, 1]} : vector<1x500xf32> to vector<1x50xf32>
    %reduce_sum3A_11 = vector.shape_cast %slice3A_10 : vector<1x50xf32> to vector<1x1x50xf32>
    %reduce_sum3A_12 = arith.constant dense<0.000000e+00> : vector<1xf32>
    %reduce_sum3A_13 = vector.multi_reduction <add>, %reduce_sum3A_11, %reduce_sum3A_12 [1, 2] : vector<1x1x50xf32> to vector<1xf32>
    %reduce_sum3A_14 = vector.shape_cast %reduce_sum3A_13 : vector<1xf32> to vector<1x1x1xf32>
    %reduce_sum3A_15 = vector.extract %reduce_sum3A_14[0, 0, 0] : f32 from vector<1x1x1xf32>
    %div3A = vector.broadcast %reduce_sum3A_9 : f32 to vector<1x500xf32>
    %div3A_16 = arith.divf %slice3A, %div3A : vector<1x500xf32>
    %div3A_17 = vector.broadcast %reduce_sum3A_15 : f32 to vector<1x500xf32>
    %div3A_18 = arith.divf %slice3A_3, %div3A_17 : vector<1x500xf32>
    %gt3A = arith.constant 0.000000e+00 : f32
    %gt3A_19 = vector.broadcast %gt3A : f32 to vector<1x500xf32>
    %gt3A_20 = arith.cmpf ogt, %div3A_16, %gt3A_19 : vector<1x500xf32>
    %add3A = arith.constant 1.000000e-10 : f32
    %add3A_21 = vector.broadcast %add3A : f32 to vector<1x500xf32>
    %add3A_22 = arith.addf %div3A_18, %add3A_21 : vector<1x500xf32>
    %div3A_23 = arith.divf %div3A_16, %add3A_22 : vector<1x500xf32>
    %log3A = math.log %div3A_23 : vector<1x500xf32>
    %mul3A = arith.mulf %div3A_16, %log3A : vector<1x500xf32>
    %jit3A = arith.constant 0.000000e+00 : f32
    %broadcast_in_dim3A_24 = vector.broadcast %jit3A : f32 to vector<1x500xf32>
    %select_n3A = arith.select %gt3A_20, %mul3A, %broadcast_in_dim3A_24 : vector<1x500xi1>, vector<1x500xf32>
    %reduce_sum3A_25 = vector.shape_cast %select_n3A : vector<1x500xf32> to vector<1x1x500xf32>
    %reduce_sum3A_26 = arith.constant dense<0.000000e+00> : vector<1xf32>
    %reduce_sum3A_27 = vector.multi_reduction <add>, %reduce_sum3A_25, %reduce_sum3A_26 [1, 2] : vector<1x1x500xf32> to vector<1xf32>
    %reduce_sum3A_28 = vector.shape_cast %reduce_sum3A_27 : vector<1xf32> to vector<1x1x1xf32>
    %reduce_sum3A_29 = vector.extract %reduce_sum3A_28[0, 0, 0] : f32 from vector<1x1x1xf32>
    %get3A_30 = arith.constant 0 : index
    %get3A_31 = arith.constant 0 : index
    %get3A_32 = vector.load %arg1[%get3A_30, %get3A_31] : memref<1x128xf32, #tpu.memory_space<vmem>>, vector<1x128xf32>
    %reduce_max3A = vector.shape_cast %get3A_32 : vector<1x128xf32> to vector<1x1x128xf32>
    %reduce_max3A_33 = arith.constant dense<0xFF800000> : vector<1xf32>
    %reduce_max3A_34 = vector.multi_reduction <maximumf>, %reduce_max3A, %reduce_max3A_33 [1, 2] : vector<1x1x128xf32> to vector<1xf32>
    %reduce_max3A_35 = vector.shape_cast %reduce_max3A_34 : vector<1xf32> to vector<1x1x1xf32>
    %reduce_max3A_36 = vector.extract %reduce_max3A_35[0, 0, 0] : f32 from vector<1x1x1xf32>
    %div3A_37 = arith.constant 1.638400e+04 : f32
    %div3A_38 = arith.divf %reduce_max3A_36, %div3A_37 : f32
    %get3A_39 = arith.constant 0 : index
    %get3A_40 = arith.constant 0 : index
    %get3A_41 = vector.load %arg2[%get3A_39, %get3A_40] : memref<1x128xf32, #tpu.memory_space<vmem>>, vector<1x128xf32>
    %reduce_max3A_42 = vector.shape_cast %get3A_41 : vector<1x128xf32> to vector<1x1x128xf32>
    %reduce_max3A_43 = arith.constant dense<0xFF800000> : vector<1xf32>
    %reduce_max3A_44 = vector.multi_reduction <maximumf>, %reduce_max3A_42, %reduce_max3A_43 [1, 2] : vector<1x1x128xf32> to vector<1xf32>
    %reduce_max3A_45 = vector.shape_cast %reduce_max3A_44 : vector<1xf32> to vector<1x1x1xf32>
    %reduce_max3A_46 = vector.extract %reduce_max3A_45[0, 0, 0] : f32 from vector<1x1x1xf32>
    %div3A_47 = arith.constant 1.638400e+04 : f32
    %div3A_48 = arith.divf %reduce_max3A_46, %div3A_47 : f32
    %mul3A_49 = arith.constant 5.000000e-01 : f32
    %mul3A_50 = arith.mulf %mul3A_49, %reduce_sum3A_29 : f32
    %add3A_51 = arith.addf %div3A_38, %div3A_48 : f32
    %mul3A_52 = arith.constant 5.000000e-01 : f32
    %mul3A_53 = arith.mulf %mul3A_52, %add3A_51 : f32
    %add3A_54 = arith.addf %mul3A_53, %mul3A_50 : f32
    %broadcast_in_dim3A_55 = vector.broadcast %add3A_54 : f32 to vector<1x128xf32>
    %swap3A = arith.constant 0 : index
    %swap3A_56 = arith.constant 0 : index
    %swap3A_57 = vector.load %arg3[%swap3A, %swap3A_56] : memref<1x128xf32, #tpu.memory_space<vmem>>, vector<1x128xf32>
    tpu.vector_store %arg3[%swap3A, %swap3A_56], %broadcast_in_dim3A_55 {strides = array<i32>} : memref<1x128xf32, #tpu.memory_space<vmem>>, vector<1x128xf32>,
    %broadcast_in_dim3A_58 = vector.broadcast %div3A_38 : f32 to vector<1x128xf32>
    %swap3A_59 = arith.constant 0 : index
    %swap3A_60 = arith.constant 0 : index
    %swap3A_61 = vector.load %arg4[%swap3A_59, %swap3A_60] : memref<1x128xf32, #tpu.memory_space<vmem>>, vector<1x128xf32>
    tpu.vector_store %arg4[%swap3A_59, %swap3A_60], %broadcast_in_dim3A_58 {strides = array<i32>} : memref<1x128xf32, #tpu.memory_space<vmem>>, vector<1x128xf32>,
    %broadcast_in_dim3A_62 = vector.broadcast %div3A_48 : f32 to vector<1x128xf32>
    %swap3A_63 = arith.constant 0 : index
    %swap3A_64 = arith.constant 0 : index
    %swap3A_65 = vector.load %arg5[%swap3A_63, %swap3A_64] : memref<1x128xf32, #tpu.memory_space<vmem>>, vector<1x128xf32>
    tpu.vector_store %arg5[%swap3A_63, %swap3A_64], %broadcast_in_dim3A_62 {strides = array<i32>} : memref<1x128xf32, #tpu.memory_space<vmem>>, vector<1x128xf32>,
    %broadcast_in_dim3A_66 = vector.broadcast %mul3A_50 : f32 to vector<1x128xf32>
    %swap3A_67 = arith.constant 0 : index
    %swap3A_68 = arith.constant 0 : index
    %swap3A_69 = vector.load %arg6[%swap3A_67, %swap3A_68] : memref<1x128xf32, #tpu.memory_space<vmem>>, vector<1x128xf32>
    tpu.vector_store %arg6[%swap3A_67, %swap3A_68], %broadcast_in_dim3A_66 {strides = array<i32>} : memref<1x128xf32, #tpu.memory_space<vmem>>, vector<1x128xf32>,
    return
  }
}

</mosaic_0001>

<sc_bundles>
// kernel: kernel.5.cloned.1.call-start
scs
__scs_entry_jumppad:
0x0: {  	(pc) =	sbr.rel $0x88, $3  }
0x1: {  	(tag) =	ssettag $0x0;
	lr =	simm.s32 $0x1  }
0x2: {  	[smem:$0x3F9D] =	sst lr;
	_ =	strace $0xD0000000  }
0x3: {  	_ = 	snop  }
0x4: {  	_ = 	snop  }
0x5: {  	_ = 	snop  }
0x6: {  	_ = 	snop  }
0x7: {  	_ = 	snop  }
__scs_overlays_trampoline_lowered:
0x8: {  	[smem:$0x3FAC] =	sst s0  }
0x9: {  	[smem:$0x3FAD] =	sst s1  }
0xa: {  	[smem:$0x3FAE] =	sst s2  }
0xb: {  	[smem:$0x3FAF] =	sst s3  }
0xc: {  	[smem:$0x3FB0] =	sst s4  }
0xd: {  	[smem:$0x3FB1] =	sst s5  }
0xe: {  	[smem:$0x3FB2] =	sst s6  }
0xf: {  	[smem:$0x3FB3] =	sst s7  }
0x10: {  	[smem:$0x3FB4] =	sst s8  }
0x11: {  	[smem:$0x3FB5] =	sst s9;
	s0 =	simm.s32 @!p0 $0x0  }
0x12: {  	s1 =	sld [smem:$0x3F9B];
	s0 =	simm.s32 @p0 $0x1  }
0x13: {  	[smem:$0x3FB6] =	sst s0;
	s0 =	simm.s32 @!p1 $0x0  }
0x14: {  	s2 =	sld [smem:$0x3F9A];
	s0 =	simm.s32 @p1 $0x1  }
0x15: {  	[smem:$0x3FB7] =	sst s0;
	s0 =	simm.s32 @!p2 $0x0  }
0x16: {  	s3 =	sld [smem:$0x3FDB];
	s0 =	simm.s32 @p2 $0x1  }
0x17: {  	s4 =	simm.s32 $0x1BF5;
	[smem:$0x3FB9] =	sst s0  }
0x18: {  	s0 =	sld [smem:$0x3F9C];
	_ =	swait.ge [sflag:s4], $0x0  }
0x19: {  	s7 =	sld [smem:$0x3F9D]  }
0x1a: {  	s8 =	sadd.s32 $0xFFFFE003, lr  }
0x1b: {  	s9 =	sadd.s32 $0xFFFFFEF7, lr;
	s5 =	simm.s32 $0xFFFFFFFF;
	p2 =	slt.u32 s8, $0xFFFFF086  }
0x1c: {  	p1 =	slt.u32 s9, $0xF7A;
	s5 =	simm.s32 @!p2 $0x0  }
0x1d: {  	s5 =	simm.s32 @p1 $0x1;
	p0 =	seq.s32 s7, s2  }
0x1e: {  	s7 =	smul.u32 @!p0 $0xF7A, s2;
	p2 =	seq.s32 @!p0 s5, $0x0  }
0x1f: {  	s9 =	smul.u32 $0xF7A, s1;
	s8 =	simm.s32 @!p0 $0x1BF5;
	p2 =	por !p2, p0  }
0x20: {  	[sflag:s8] =	ssyncset.s32 @!p0 $0xFFFFF086;
	s6 =	sadd.s32 @!p0 s3, s7;
	s7 =	simm.s32 @!p0 $0x108  }
0x21: {  	s3 =	sadd.s32 s3, s9;
	s6 =	sadd.s32 @!p0 $0x88, s6;
	s7 =	simm.s32 @p2 $0x1082  }
0x22: {  	[simem:s7], [sflag:s8] =	dma.local @!p0 [hbm:s6], $0xF7A  }
0x23: {  	s9 =	sor.u32 $0xD0000000, s2;
	s6 =	simm.s32 $0x108;
	_ =	swait.ge @!p0 [sflag:s8], $0x0  }
0x24: {  	s3 =	sadd.s32 $0x88, s3;
	s6 =	simm.s32 @!p1 $0x1082;
	[sflag:s4] =	ssyncset.s32 $0xFFFFF086  }
0x25: {  	[simem:s6], [sflag:s4] =	dma.local [hbm:s3], $0xF7A  }
0x26: {  	[smem:$0x3F9D] =	sst s1;
	(tag) =	ssettag s2;
	_ =	strace s9  }
0x27: {  	s1 =	sld [smem:$0x3FAD]  }
0x28: {  	s2 =	sld [smem:$0x3FAE]  }
0x29: {  	s4 =	sld [smem:$0x3FB0]  }
0x2a: {  	p0 =	seq.s32 s5, $0x0;
	s5 =	sld [smem:$0x3FB1]  }
0x2b: {  	s6 =	sld [smem:$0x3FB2]  }
0x2c: {  	s7 =	sld [smem:$0x3FB3]  }
0x2d: {  	s3 =	simm.s32 $0x108;
	s8 =	sld [smem:$0x3FB4]  }
0x2e: {  	s3 =	simm.s32 @!p0 $0x1082;
	s9 =	sld [smem:$0x3FB5]  }
0x2f: {  	lr =	sadd.s32 s0, s3;
	s0 =	sld [smem:$0x3FAC]  }
0x30: {  	s3 =	sld [smem:$0x3FAF]  }
0x31: {  	[smem:$0x3FB8] =	sst s10  }
0x32: {  	s10 =	sld [smem:$0x3FB6];
	_ =	sdelay $0x3  }
0x33: {  	p0 =	seq.s32 s10, $0x1;
	s10 =	sld [smem:$0x3FB8];
	_ =	sdelay $0x3  }
0x34: {  	[smem:$0x3FB8] =	sst s10  }
0x35: {  	s10 =	sld [smem:$0x3FB7];
	_ =	sdelay $0x3  }
0x36: {  	p1 =	seq.s32 s10, $0x1;
	s10 =	sld [smem:$0x3FB8];
	_ =	sdelay $0x3  }
0x37: {  	[smem:$0x3FB8] =	sst s10  }
0x38: {  	s10 =	sld [smem:$0x3FB9]  }
0x39: {  	_ = 	snop;
	(pc) =	sbr.ind lr, $3  }
0x3a: {  	_ = 	snop  }
0x3b: {  	_ = 	snop  }
0x3c: {  	p2 =	seq.s32 s10, $0x1;
	s10 =	sld [smem:$0x3FB8]  }
0x3d: {  	_ =	shalt  }
0x3e: {  	_ =	shalt  }
0x3f: {  	_ =	shalt  }
0x40: {  	_ =	shalt  }
0x41: {  	_ =	shalt  }
0x42: {  	_ =	shalt  }
0x43: {  	_ =	shalt  }
0x44: {  	_ =	shalt  }
0x45: {  	_ =	shalt  }
0x46: {  	_ =	shalt  }
0x47: {  	_ =	shalt  }
0x48: {  	_ =	shalt  }
0x49: {  	_ =	shalt  }
0x4a: {  	_ =	shalt  }
0x4b: {  	_ =	shalt  }
0x4c: {  	_ =	shalt  }
0x4d: {  	_ =	shalt  }
0x4e: {  	_ =	shalt  }
0x4f: {  	_ =	shalt  }
0x50: {  	_ =	shalt  }
0x51: {  	_ =	shalt  }
0x52: {  	_ =	shalt  }
0x53: {  	_ =	shalt  }
0x54: {  	_ =	shalt  }
0x55: {  	_ =	shalt  }
0x56: {  	_ =	shalt  }
0x57: {  	_ =	shalt  }
0x58: {  	_ =	shalt  }
0x59: {  	_ =	shalt  }
0x5a: {  	_ =	shalt  }
0x5b: {  	_ =	shalt  }
0x5c: {  	_ =	shalt  }
0x5d: {  	_ =	shalt  }
0x5e: {  	_ =	shalt  }
0x5f: {  	_ =	shalt  }
0x60: {  	_ =	shalt  }
0x61: {  	_ =	shalt  }
0x62: {  	_ =	shalt  }
0x63: {  	_ =	shalt  }
0x64: {  	_ =	shalt  }
0x65: {  	_ =	shalt  }
0x66: {  	_ =	shalt  }
0x67: {  	_ =	shalt  }
0x68: {  	_ =	shalt  }
0x69: {  	_ =	shalt  }
0x6a: {  	_ =	shalt  }
0x6b: {  	_ =	shalt  }
0x6c: {  	_ =	shalt  }
0x6d: {  	_ =	shalt  }
0x6e: {  	_ =	shalt  }
0x6f: {  	_ =	shalt  }
0x70: {  	_ =	shalt  }
0x71: {  	_ =	shalt  }
0x72: {  	_ =	shalt  }
0x73: {  	_ =	shalt  }
0x74: {  	_ =	shalt  }
0x75: {  	_ =	shalt  }
0x76: {  	_ =	shalt  }
0x77: {  	_ =	shalt  }
0x78: {  	_ =	shalt  }
0x79: {  	_ =	shalt  }
0x7a: {  	_ =	shalt  }
0x7b: {  	_ =	shalt  }
0x7c: {  	_ =	shalt  }
0x7d: {  	_ =	shalt  }
0x7e: {  	_ =	shalt  }
0x7f: {  	_ =	shalt  }
0x80: {  	_ =	shalt  }
0x81: {  	_ =	shalt  }
0x82: {  	_ =	shalt  }
0x83: {  	_ =	shalt  }
0x84: {  	_ =	shalt  }
0x85: {  	_ =	shalt  }
0x86: {  	_ =	shalt  }
0x87: {  	_ =	shalt  }
.Lfunc_end0:
.L_simem_size_0:
called_computation_lowered:
.L_overlay_start_0:
0x88: {  	s2 =	sld [smem:$0x3FD9]  }
0x89: {  	s3 =	sld [smem:$0x3FFE];
	_ =	sdelay $0x1  }
0x8a: {  	s1 =	srdreg.scid  }
0x8b: {  	s0 =	sand.u32 $0x1, s1  }
0x8c: {  	s16 =	sshll.u32 s0, $0xA;
	s2 =	sadd.s32 s3, s2  }
0x8d: {  	s2 =	sadd.s32 s2, s16  }
0x8e: {  	[smem:$0x3FC4] =	sst s2  }
0x8f: {  	_ = 	snop  }
0x90: {  	(tm) =	ssettm $0x1  }
0x91: {  	s17 =	sld [smem:$0x3FFB];
	_ =	sdelay $0x3  }
0x92: {  	_ =	strace s17  }
0x93: {  	s2 =	sld [smem:$0x3FFC];
	_ =	sdelay $0x3  }
0x94: {  	_ =	strace s2  }
0x95: {  	s2 =	sld [smem:$0x3FFD];
	_ =	sdelay $0x3  }
0x96: {  	_ =	strace s2  }
0x97: {  	_ =	strace $0x8FFFFFFF  }
0x98: {  	s18 =	sld [smem:$0x3FDB];
	_ =	sdelay $0x1  }
0x99: {  	s19 =	simm.s32 $_scs_section_size  }
0x9a: {  	s4 =	simm.s32 $_size__tile_overlayer_lowered;
	s5 =	simm.s32 $_tile_overlayer_lowered  }
0x9b: {  	s22 =	simm.s32 $0x1BFF;
	s21 =	sshll.u32 s5, $0x1;
	s2 =	sadd.s32 s19, s18  }
0x9c: {  	s6 =	simm.s32 $0x0;
	s20 =	sshll.u32 s4, $0x1;
	s4 =	sadd.s32 s21, s2  }
0x9d: {  	[timem:s6], [sflag:s22] =	dma.local [hbm:s4], s20  }
0x9e: {  	_ =	swait.ge [sflag:s22], s20  }
0x9f: {  	s3 =	ssub.s32 $0x0, s20;
	[sflag:s22] =	ssyncset.done $0x0  }
0xa0: {  	[sflag:s22] =	ssyncadd.s32 s3;
	_ =	sdelay $0x1  }
0xa1: {  	s23 =	simm.s32 $0x1B8B  }
0xa2: {  	_ =	swait.ge [sflag:s23], $0x1  }
0xa3: {  	[sflag:s23] =	ssyncset.done $0x0  }
0xa4: {  	s25 =	simm.s32 $0x1B8E;
	s24 =	sld [smem:$0x3FFE];
	[sflag:s23] =	ssyncadd.s32 $0xFFFFFFFF  }
0xa5: {  	s26 =	simm.s32 $execute0_lowered;
	[smem:$0x3FD2] =	sst s25  }
0xa6: {  	s4 =	sshll.u32 s26, $0x1;
	_ =	strace $0x80000046;
	[dreg:$0x1] =	wrdreg $0xFFFFFFFF  }
0xa7: {  	s28 =	simm.s32 $_size_execute0_lowered;
	s2 =	sadd.s32 s2, s4;
	[dreg:$0x0] =	wrdreg $0x0  }
0xa8: {  	s4 =	sshll.u32 s28, $0x1;
	[dreg:$0x2] =	wrdreg s2  }
0xa9: {  	[dreg:$0x3] =	wrdreg s4  }
0xaa: {  	[dreg:$0x4] =	wrdreg $0xC0  }
0xab: {  	_ =	task [dreg:s6], $0x5FFFF  }
0xac: {  	[dreg:$0x1] =	wrdreg $0xFFFFFFFF  }
0xad: {  	[dreg:$0x0] =	wrdreg $0x60  }
0xae: {  	[dreg:$0x2] =	wrdreg s24  }
0xaf: {  	[dreg:$0x3] =	wrdreg $0x8A800  }
0xb0: {  	[dreg:$0x4] =	wrdreg $0x9  }
0xb1: {  	_ =	task.clear_ibuf [dreg:s6], $0x5FFFF;
	_ =	strace $0x90000046  }
0xb2: {  	s29 =	simm.s32 $0x9;
	_ =	strace $0x80000048  }
0xb3: {  	_ =	swait.ge [sflag:s29], $0x1  }
0xb4: {  	[sflag:s29] =	ssyncadd.s32 $0xFFFFFFFF  }
0xb5: {  	_ =	strace $0x90000048  }
0xb6: {  	_ =	sfence  }
0xb7: {  	s30 =	sld [smem:$0x0];
	_ =	sdelay $0x2  }
0xb8: {  	s31 =	sshll.u32 s1, $0xD;
	s1 =	sshrl.u32 s1, $0x2  }
0xb9: {  	s3 =	sand.u32 $0x4000, s31;
	s1 =	sadd.s32 s1, s30  }
0xba: {  	s0 =	sor.u32 s3, s0;
	s1 =	sshll.u32 s1, $0x11  }
0xbb: {  	s0 =	sor.u32 s1, s0  }
0xbc: {  	s0 =	sadd.s32 $0x8F2B, s0  }
0xbd: {  	[sflag:s0] =	ssyncadd.remote.s32 $0x1  }
0xbe: {  	_ =	sfence.sel $0xFFFF  }
0xbf: {  	[dreg:$0x0] =	wrdreg $0xFFFFFFFF;
	(pc) =	sbr.abs _section_cstart, $3  }
0xc0: {  	[dreg:$0x1] =	wrdreg $0xFFFFFFFF  }
0xc1: {  	_ =	task.clear_ibuf [dreg:s6], $0x2FFFF;
	_ =	strace $0x9FFFFFFF  }
0xc2: {  	(tm) =	ssettm $0x7FFFFFFF  }
0xc3: {  	_ =	shalt  }
tec
execute0_lowered:
.L_overlay_start_1:
0x0: {  	(tag) =	ssettag $0x1  }
0x1: {  	v0 =	vlaneseq.u32;
	v12 =	vimm.s32 $0xBCAB9A89;
	v13 =	vimm.s32 $0xF0EFDECD  }
0x2: {  	v14 =	vimm.s32 $0x34231201;
	v15 =	vimm.s32 $0x78675645;
	v16 =	vimm.s32 $0xBDAC9B8A  }
0x3: {  	v17 =	vimm.s32 $0xF1E0DFCE;
	vm0 =	vcmask $0x1F10;
	v63 =	vimm.s32 $0x35241302  }
0x4: {  	v9 =	vimm.s32 $0x79685746;
	v10 =	vimm.s32 $0xBEAD9C8B;
	v11 =	vimm.s32 $0xF2E1D0CF  }
0x5: {  	v24 =	vimm.s32 $0x36251403;
	v18 =	vimm.s32 $0x7A695847;
	v27 =	vimm.s32 $0xBFAE9D8C  }
0x6: {  	v28 =	vimm.s32 $0xF3E2D1C0;
	v30 =	vimm.s32 $0x37261504;
	v19 =	vimm.s32 $0x7B6A5948  }
0x7: {  	v20 =	vimm.s32 $0xB0AF9E8D;
	v21 =	vimm.s32 $0xF4E3D2C1;
	v22 =	vimm.s32 $0x38271605  }
0x8: {  	v38 =	vimm.s32 $0xB1A09F8E;
	v39 =	vimm.s32 $0xF5E4D3C2;
	v40 =	vimm.s32 $0x39281706  }
0x9: {  	v41 =	vimm.s32 $0x7D6C5B4A;
	v45 =	vimm.s32 $0x3A291807;
	v46 =	vimm.s32 $0x7E6D5C4B  }
0xa: {  	v47 =	vimm.s32 $0xB3A29180;
	v48 =	vimm.s32 $0xF7E6D5C4;
	v53 =	vimm.s32 $0xB8A79685  }
0xb: {  	v56 =	vimm.s32 $0x75645342;
	v57 =	vimm.s32 $0xBAA99887;
	v58 =	vimm.s32 $0xFEEDDCCB  }
0xc: {  	v59 =	vimm.s32 $0x3221100F;
	v60 =	vimm.s32 $0x76655443;
	v1 =	vmul.u32 $0xA, v0  }
0xd: {  	v12 =	vunpack.c.0.s8.s32 v12;
	v13 =	vunpack.c.0.s8.s32 v13;
	v14 =	vunpack.c.0.s8.s32 v14  }
0xe: {  	v15 =	vunpack.c.0.s8.s32 v15;
	v16 =	vunpack.c.0.s8.s32 v16;
	v17 =	vunpack.c.0.s8.s32 v17  }
0xf: {  	v25 =	vunpack.c.0.s8.s32 v24;
	v26 =	vunpack.c.0.s8.s32 v18;
	v29 =	vunpack.c.0.s8.s32 v28  }
0x10: {  	v18 =	vunpack.c.0.s8.s32 v30;
	v19 =	vunpack.c.0.s8.s32 v19;
	v20 =	vunpack.c.0.s8.s32 v20  }
0x11: {  	v24 =	vimm.s32 $0x7C6B5A49;
	v21 =	vunpack.c.0.s8.s32 v21;
	v22 =	vunpack.c.0.s8.s32 v22  }
0x12: {  	v30 =	vimm.s32 $0x706F5E4D;
	v2 =	vor.u32 $0x1, v1;
	v35 =	vadd.s32 $0x2, v1  }
0x13: {  	v3 =	vadd.s32 $0x5, v1;
	v4 =	vadd.s32 $0x6, v1;
	v5 =	vadd.s32 $0x7, v1  }
0x14: {  	v6 =	vadd.s32 $0x8, v1;
	v7 =	vadd.s32 $0x9, v1;
	v12 =	vsel vm0, v13, v12  }
0x15: {  	v61 =	vsel vm0, v15, v14;
	v62 =	vsel vm0, v17, v16;
	v13 =	vunpack.c.0.s8.s32 v63  }
0x16: {  	v14 =	vunpack.c.0.s8.s32 v9;
	v15 =	vunpack.c.0.s8.s32 v10;
	v16 =	vunpack.c.0.s8.s32 v11  }
0x17: {  	v32 =	vsel vm0, v19, v18;
	v33 =	vsel vm0, v21, v20;
	v17 =	vunpack.c.0.s8.s32 v39  }
0x18: {  	v18 =	vunpack.c.0.s8.s32 v40;
	v20 =	vimm.s32 $0xB2A1908F;
	v21 =	vimm.s32 $0xF6E5D4C3  }
0x19: {  	v19 =	vunpack.c.0.s8.s32 v41;
	v9 =	vimm.s32 $0xB4A39281;
	v10 =	vimm.s32 $0xF8E7D6C5  }
0x1a: {  	v23 =	vcombine.low v61, v12;
	v20 =	vunpack.c.0.s8.s32 v20;
	v21 =	vunpack.c.0.s8.s32 v21  }
0x1b: {  	v11 =	vunpack.c.0.s8.s32 v9;
	v28 =	vunpack.c.0.s8.s32 v10;
	v13 =	vsel vm0, v14, v13  }
0x1c: {  	v15 =	vsel vm0, v16, v15;
	v14 =	vsel vm0, v26, v25;
	v16 =	vunpack.c.0.s8.s32 v27  }
0x1d: {  	v26 =	vunpack.c.0.s8.s32 v24;
	v43 =	vsel vm0, v19, v18;
	v18 =	vunpack.c.0.s8.s32 v47  }
0x1e: {  	v19 =	vunpack.c.0.s8.s32 v48;
	v24 =	vcombine.low v13, v62;
	v25 =	vcombine.low v14, v15  }
0x1f: {  	v44 =	vsel vm0, v21, v20;
	v20 =	vimm.s32 $0x3B2A1908;
	v21 =	vimm.s32 $0x7F6E5D4C  }
0x20: {  	v10 =	vand.u32 $0xFF, v23;
	v31 =	vsel vm0, v29, v16;
	v34 =	vsel vm0, v26, v22  }
0x21: {  	v16 =	vunpack.c.0.s8.s32 v38;
	v49 =	vunpack.c.0.s8.s32 v20;
	v20 =	vunpack.c.0.s8.s32 v21  }
0x22: {  	v62 =	vsel vm0, v19, v18;
	v29 =	vimm.s32 $0x3C2B1A09;
	v19 =	vunpack.c.0.s8.s32 v30  }
0x23: {  	v21 =	vimm.s32 $0xF9E8D7C6;
	v22 =	vimm.s32 $0x3D2C1B0A;
	v38 =	vimm.s32 $0x7261504F  }
0x24: {  	v30 =	vimm.s32 $0x74635241;
	v12 =	vcombine.low v32, v31;
	v27 =	vcombine.low v34, v33  }
0x25: {  	v18 =	vunpack.c.0.s8.s32 v29;
	v31 =	vimm.s32 $0x71605F4E;
	v21 =	vunpack.c.0.s8.s32 v21  }
0x26: {  	v22 =	vunpack.c.0.s8.s32 v22;
	v33 =	vimm.s32 $0xB6A59483;
	v29 =	vimm.s32 $0x302F1E0D  }
0x27: {  	v30 =	vunpack.c.0.s8.s32 v30;
	v42 =	vsel vm0, v17, v16;
	v16 =	vunpack.c.0.s8.s32 v45  }
0x28: {  	v17 =	vunpack.c.0.s8.s32 v46;
	v63 =	vsel vm0, v20, v49;
	v20 =	vimm.s32 $0xB5A49382  }
0x29: {  	s4 =	rddreg [dreg:$0x0];
	v26 =	vunpack.c.0.s8.s32 v31;
	v29 =	vunpack.c.0.s8.s32 v29;
	v31 =	vimm.s32 $0xB9A89786  }
0x2a: {  	s0 =	stileid.u32;
	s2 =	srdreg.scid;
	v13 =	vcombine.low v43, v42;
	v15 =	vcombine.low v63, v62;
	v20 =	vunpack.c.0.s8.s32 v20  }
0x2b: {  	s1 =	rddreg [dreg:$0x1];
	s7 =	sand.u32 $0x1, s2;
	s2 =	simm.s32 $0x0;
	v32 =	vsel vm0, v19, v18;
	v18 =	vunpack.c.0.s8.s32 v33;
	v43 =	vand.u32 $0xFF, v25  }
0x2c: {  	s3 =	sshll.u32 s0, $0x1;
	[smem:$0x7FF] =	sst s2;
	v45 =	vand.u32 $0xFF, v27;
	v16 =	vsel vm0, v17, v16;
	v55 =	vsel vm0, v30, v29  }
0x2d: {  	s5 =	sor.u32 s7, s3;
	s3 =	rddreg [dreg:$0x2];
	_ =	strace $0x80000047;
	[tilespmem:$0x1FEA0] =	vst v3;
	v29 =	vunpack.c.0.s8.s32 v58;
	v30 =	vunpack.c.0.s8.s32 v59;
	v50 =	vcombine.low v16, v44  }
0x2e: {  	[tilespmem:$0x1FEB0] =	vst v4;
	v16 =	vsel vm0, v28, v11;
	v34 =	vsel vm0, v21, v20;
	v20 =	vsel vm0, v26, v22  }
0x2f: {  	[tilespmem:$0x1FEC0] =	vst v5;
	v21 =	vimm.s32 $0xFAE9D8C7;
	v22 =	vimm.s32 $0x3E2D1C0B;
	v26 =	vunpack.c.0.s8.s32 v38  }
0x30: {  	[tilespmem:$0x1FED0] =	vst v6;
	v28 =	vimm.s32 $0xFCEBDAC9;
	v11 =	vand.u32 $0xFF, v24;
	v44 =	vand.u32 $0xFF, v12  }
0x31: {  	[tilespmem:$0x1FEE0] =	vst v7;
	v46 =	vand.u32 $0xFF, v13;
	v48 =	vand.u32 $0xFF, v15;
	v21 =	vunpack.c.0.s8.s32 v21  }
0x32: {  	[tilespmem:$0x1FFE0] =	vst v2;
	v22 =	vunpack.c.0.s8.s32 v22;
	v16 =	vcombine.low v32, v16;
	v39 =	vcombine.low v20, v34  }
0x33: {  	[tilespmem:$0x1FFF0] =	vst v35;
	v20 =	vimm.s32 $0xB7A69584;
	v28 =	vunpack.c.0.s8.s32 v28;
	v32 =	vimm.s32 $0xFDECDBCA  }
0x34: {  	[tilespmem:$0x1FEF0] =	vst v10;
	v52 =	vunpack.c.0.s8.s32 v20;
	v20 =	vimm.s32 $0xFBEAD9C8;
	v54 =	vunpack.c.0.s8.s32 v32  }
0x35: {  	[tilespmem:$0x1FF10] =	vst v43;
	v47 =	vand.u32 $0xFF, v50;
	v18 =	vsel vm0, v21, v18;
	v51 =	vsel vm0, v26, v22  }
0x36: {  	[tilespmem:$0x1FF30] =	vst v45;
	v20 =	vunpack.c.0.s8.s32 v20;
	v21 =	vimm.s32 $0x3F2E1D0C;
	v22 =	vimm.s32 $0x73625140  }
0x37: {  	s12 =	simm.s32 $0x3100;
	[tilespmem:$0x1FF00] =	vst v11;
	v26 =	vunpack.c.0.s8.s32 v53;
	v49 =	vand.u32 $0xFF, v16;
	v50 =	vand.u32 $0xFF, v39  }
0x38: {  	s13 =	simm.s32 $0x3;
	s14 =	simm.s32 $0x3280;
	s15 =	simm.s32 $0x3000;
	[tilespmem:$0x1FF20] =	vst v44;
	v18 =	vcombine.low v51, v18;
	v21 =	vunpack.c.0.s8.s32 v21;
	v22 =	vunpack.c.0.s8.s32 v22  }
0x39: {  	s16 =	simm.s32 $0x3080;
	s17 =	simm.s32 $0x2;
	s18 =	simm.s32 $0x4680;
	[tilespmem:$0x1FF40] =	vst v46;
	v19 =	vsel vm0, v20, v52;
	v20 =	vunpack.c.0.s8.s32 v31;
	v31 =	vunpack.c.0.s8.s32 v60  }
0x3a: {  	s19 =	simm.s32 $0x80;
	s20 =	simm.s32 $0x400;
	s21 =	simm.s32 $0x8680;
	[tilespmem:$0x1FF60] =	vst v48;
	v21 =	vsel vm0, v22, v21;
	v22 =	vsel vm0, v28, v26;
	v28 =	vunpack.c.0.s8.s32 v57  }
0x3b: {  	s22 =	simm.s32 $0x0;
	s6 =	smul.u32 $0x500, s0;
	s9 =	sshll.u32 s0, $0x8;
	[tilespmem:$0x1FF50] =	vst v47;
	v19 =	vcombine.low v21, v19;
	v21 =	vcombine.low v55, v22;
	v22 =	vimm.s32 $0x31201F0E  }
0x3c: {  	s9 =	sand.u32 $0xC00, s9;
	s11 =	ssub.s32 $0x2, s7;
	s31 =	sshll.u32 s7, $0x9;
	[tilespmem:$0x1FF70] =	vst v49;
	v26 =	vunpack.c.0.s8.s32 v56;
	v51 =	vand.u32 $0xFF, v18;
	v22 =	vunpack.c.0.s8.s32 v22  }
0x3d: {  	s8 =	smul.u32 $0xC0, s5;
	s10 =	sadd.s32 s6, s4;
	s9 =	sadd.s32 s9, s4;
	[tilespmem:$0x1FF80] =	vst v50;
	v20 =	vsel vm0, v54, v20;
	v34 =	vsel vm0, v31, v30;
	v33 =	vsel vm0, v29, v28  }
0x3e: {  	s28 =	sshrl.u32 s11, $0x1;
	s5 =	sshll.u32 s5, $0x4;
	s6 =	sshrl.u32 s6, $0x2;
	[tilespmem:$0x1FF90] =	vst v51;
	v63 =	vcombine.low v34, v33;
	v52 =	vand.u32 $0xFF, v19;
	v61 =	vsel vm0, v26, v22  }
0x3f: {  	s11 =	ssub.s32 s11, s28;
	s29 =	sand.u32 $0x70, s5;
	s6 =	sadd.s32 s6, s1;
	v53 =	vand.u32 $0xFF, v21;
	[tilespmem:$0x1FFA0] =	vst v52;
	v62 =	vcombine.low v61, v20  }
0x40: {  	s8 =	sadd.s32 s8, s4;
	s4 =	sadd.s32 $0x1000, s10;
	s30 =	sadd.s32 s29, s9;
	[tilespmem:$0x1FFB0] =	vst v53;
	v55 =	vand.u32 $0xFF, v63  }
0x41: {  	v0 =	vimm.f32 $0.0e+00;
	s9 =	sor.u32 $0x30, s31;
	s10 =	simm.s32 $0x2800;
	s5 =	sadd.s32 $0x6000, s8;
	[tilespmem:$0x1FFD0] =	vst v55;
	v54 =	vand.u32 $0xFF, v62  }
0x42: {  	v36 =	vadd.s32 $0x3, v1;
	v37 =	vadd.s32 $0x4, v1;
	s7 =	sadd.s32 $0x7800, s30;
	s8 =	smax.u32 s11, $0x1;
	s11 =	simm.s32 $0x1;
	v22 =	vimm.f32 $1.000000000e+00;
	[tilespmem:$0x1FFC0] =	vst v54  }
.LBB2_1:
0x43: {  	[tilespmem:s2], [sflag:$0x1] =	stream.linear.gather [hbm4b:s4+s2], $0x2800, $0x38;
	[tilespmem:$0x8BC0] =	vst v63  }
0x44: {  	s23 =	simm.s32 $0x46C0  }
0x45: {  	[tilespmem:s10], [sflag:$0x2] =	stream.linear.gather [hbm4b:s5+s2], $0x600, $0x38;
	[tilespmem:$0x8BC0] =	vst v63  }
0x46: {  	[tilespmem:s23+$0xFFFFFFC0] =	vst v0  }
0x47: {  	[tilespmem:s23+$0x30] =	vst v0  }
0x48: {  	[tilespmem:s23+$0x20] =	vst v0  }
0x49: {  	[tilespmem:s23+$0x10] =	vst v0  }
0x4a: {  	[tilespmem:s23+$0x0] =	vst v0  }
0x4b: {  	[tilespmem:s23+$0xFFFFFFF0] =	vst v0  }
0x4c: {  	s24 =	simm.s32 $0x0;
	[tilespmem:s23+$0xFFFFFFE0] =	vst v0  }
.LBB2_2:
0x4d: {  	s24 =	sadd.s32 $0x8, s24;
	[tilespmem:s23+$0xFFFFFFD0] =	vst v0;
	s23 =	sadd.s32 $0x80, s23  }
0x4e: {  	[tilespmem:s23+$0xFFFFFFC0] =	vst v0;
	p0 =	slt.u32 s24, $0x3F8  }
0x4f: {  	[tilespmem:s23+$0x30] =	vst v0  }
.Ltmp0:
0x50: {  	[tilespmem:s23+$0x20] =	vst v0;
	(pc) =	sbr.rel @p0 .LBB2_2-.Ltmp0, $4  }
0x51: {  	[tilespmem:s23+$0x10] =	vst v0  }
0x52: {  	[tilespmem:s23+$0x0] =	vst v0  }
0x53: {  	[tilespmem:s23+$0xFFFFFFF0] =	vst v0  }
0x54: {  	[tilespmem:s23+$0xFFFFFFE0] =	vst v0  }
0x55: {  	s24 =	simm.s32 $0x0  }
0x56: {  	v12 =	vmov s24  }
0x57: {  	v12 =	vmul.u32 $0xA, v12;
	_ =	sdelay $0x1  }
0x58: {  	s30 =	simm.s32 $0x10;
	v12 =	vbroadcast v12, $0x0  }
0x59: {  	s25 =	simm.s32 $0x30;
	v13 =	vmov s30  }
0x5a: {  	v14 =	vmov s25;
	v13 =	vmul.u32 $0xA, v13;
	v15 =	vadd.s32 v1, v12  }
0x5b: {  	[tilespmem:s23+$0xFFFFFFD0] =	vst v0;
	v14 =	vmul.u32 $0xA, v14;
	v16 =	vadd.s32 v2, v12  }
0x5c: {  	_ =	swait.ge [sflag:s11], $0x2800;
	v13 =	vbroadcast v13, $0x0;
	v17 =	vadd.s32 v5, v12  }
0x5d: {  	[sflag:s11] =	ssyncset.done $0x0;
	v14 =	vbroadcast v14, $0x0;
	v18 =	vadd.s32 v4, v12  }
0x5e: {  	[sflag:s11] =	ssyncadd.s32 $0xFFFFD800;
	v19 =	vadd.s32 v36, v13  }
0x5f: {  	v20 =	vadd.s32 v3, v14;
	v15 =	vld.idx.msk [tilespmem:v15+s2+$0x0], $0xffff  }
0x60: {  	v21 =	vadd.s32 v7, v12;
	v16 =	vld.idx.msk [tilespmem:v16+s2+$0x0], $0xffff  }
0x61: {  	v39 =	vadd.s32 v35, v12;
	v48 =	vld.idx.msk [tilespmem:v17+s2+$0x0], $0xffff  }
0x62: {  	v40 =	vadd.s32 v7, v13;
	v18 =	vld.idx.msk [tilespmem:v18+s2+$0x0], $0xffff  }
0x63: {  	v42 =	vadd.s32 v35, v13;
	v10 =	vld.idx.msk [tilespmem:v19+s2+$0x0], $0xffff  }
0x64: {  	v43 =	vadd.s32 v5, v13;
	v38 =	vld.idx.msk [tilespmem:v20+s2+$0x0], $0xffff  }
0x65: {  	v49 =	vadd.s32 v37, v13;
	v0 =	vld.idx.msk [tilespmem:v21+s2+$0x0], $0xffff  }
0x66: {  	v46 =	vimm.f32 $+Inf;
	v44 =	vimm.f32 $-Inf;
	v47 =	vadd.s32 v36, v12;
	v50 =	vld.idx.msk [tilespmem:v39+s2+$0x0], $0xffff  }
0x67: {  	v51 =	vadd.s32 v37, v12;
	v52 =	vadd.s32 v1, v13;
	v60 =	vadd.s32 v4, v13;
	v11 =	vld.idx.msk [tilespmem:v40+s2+$0x0], $0xffff  }
0x68: {  	s31 =	simm.s32 $0x20;
	v41 =	vadd.s32 v4, v14;
	v29 =	vadd.s32 v3, v13;
	v55 =	vadd.s32 v6, v12;
	v56 =	vld.idx.msk [tilespmem:v42+s2+$0x0], $0xffff  }
0x69: {  	v9 =	vadd.s32 v2, v14;
	v20 =	vmov s31;
	v21 =	vadd.s32 v36, v14;
	v26 =	vld.idx.msk [tilespmem:v43+s2+$0x0], $0xffff  }
0x6a: {  	v25 =	vadd.s32 v6, v14;
	v59 =	vadd.s32 v6, v13;
	v17 =	vld.idx.msk [tilespmem:v49+s2+$0x0], $0xffff;
	v20 =	vmul.u32 $0xA, v20  }
0x6b: {  	v8 =	vadd.s32 v35, v14;
	v30 =	vadd.s32 v2, v13;
	v28 =	vadd.s32 v7, v14;
	v54 =	vld.idx.msk [tilespmem:v47+s2+$0x0], $0xffff  }
0x6c: {  	v42 =	vadd.s32 v37, v14;
	v43 =	vadd.s32 v3, v12;
	v39 =	vld.idx.msk [tilespmem:v52+s2+$0x0], $0xffff;
	v20 =	vbroadcast v20, $0x0  }
0x6d: {  	v61 =	vld.idx.msk [tilespmem:v51+s2+$0x0], $0xffff;
	v57 =	vmax.f32 v44, v15;
	v24 =	vmin.f32 v46, v16;
	v45 =	vmax.f32 v44, v16  }
0x6e: {  	v23 =	vld.idx.msk [tilespmem:v21+s2+$0x0], $0xffff;
	v21 =	vadd.s32 v1, v20;
	v63 =	vadd.s32 v36, v20;
	v47 =	vadd.s32 v2, v20  }
0x6f: {  	v59 =	vld.idx.msk [tilespmem:v59+s2+$0x0], $0xffff;
	v27 =	vadd.s32 v6, v20;
	v13 =	vadd.s32 v35, v20;
	v40 =	vadd.s32 v37, v20  }
0x70: {  	v55 =	vld.idx.msk [tilespmem:v55+s2+$0x0], $0xffff;
	v15 =	vmin.f32 v46, v15;
	v53 =	vmin.f32 v46, v18;
	v16 =	vadd.s32 v1, v14  }
0x71: {  	v62 =	vmax.f32 v44, v18;
	v12 =	vmax.f32 v44, v50;
	v50 =	vmin.f32 v46, v50;
	v43 =	vld.idx.msk [tilespmem:v43+s2+$0x0], $0xffff  }
0x72: {  	v31 =	vadd.s32 v4, v20;
	v34 =	vadd.s32 v5, v20;
	v32 =	vmax.f32 v12, v56;
	v12 =	vld.idx.msk [tilespmem:v60+s2+$0x0], $0xffff  }
0x73: {  	v18 =	vadd.s32 v7, v20;
	v33 =	vmin.f32 v50, v56;
	v56 =	vmin.f32 v46, v48;
	v52 =	vld.idx.msk [tilespmem:v21+s2+$0x0], $0xffff  }
0x74: {  	v19 =	vmin.f32 v15, v39;
	v49 =	vmax.f32 v57, v39;
	v57 =	vmax.f32 v44, v48;
	v50 =	vld.idx.msk [tilespmem:v40+s2+$0x0], $0xffff  }
0x75: {  	v39 =	vmax.f32 v44, v61;
	v60 =	vadd.s32 v5, v14;
	v21 =	vadd.s32 v3, v20;
	v58 =	vld.idx.msk [tilespmem:v16+s2+$0x0], $0xffff  }
0x76: {  	v14 =	vmin.f32 v46, v55;
	v15 =	vmax.f32 v44, v0;
	v51 =	vmax.f32 v39, v17;
	v40 =	vld.idx.msk [tilespmem:v29+s2+$0x0], $0xffff  }
0x77: {  	v15 =	vmax.f32 v15, v11;
	v39 =	vmax.f32 v44, v54;
	v20 =	vmin.f32 v46, v61;
	v13 =	vld.idx.msk [tilespmem:v13+s2+$0x0], $0xffff  }
0x78: {  	v16 =	vmax.f32 v44, v55;
	v61 =	vmin.f32 v14, v59;
	v17 =	vmin.f32 v20, v17;
	v20 =	vld.idx.msk [tilespmem:v30+s2+$0x0], $0xffff  }
0x79: {  	v59 =	vmax.f32 v16, v59;
	v35 =	vmax.f32 v49, v52;
	v49 =	vmin.f32 v17, v50;
	v17 =	vld.idx.msk [tilespmem:v63+s2+$0x0], $0xffff  }
0x7a: {  	v14 =	vmin.f32 v53, v12;
	v12 =	vmax.f32 v62, v12;
	v16 =	vld.idx.msk [tilespmem:v21+s2+$0x0], $0xffff;
	v19 =	vmin.f32 v19, v52  }
0x7b: {  	v62 =	vld.idx.msk [tilespmem:v18+s2+$0x0], $0xffff;
	v21 =	vmax.f32 v44, v43;
	v52 =	vmin.f32 v19, v58;
	v19 =	vmin.f32 v46, v43  }
0x7c: {  	v63 =	vmax.f32 v57, v26;
	v18 =	vmin.f32 v19, v40;
	v19 =	vmin.f32 v46, v54  }
0x7d: {  	v57 =	vmax.f32 v32, v13;
	v21 =	vmax.f32 v21, v40;
	v19 =	vmin.f32 v19, v10  }
0x7e: {  	v53 =	vld.idx.msk [tilespmem:v28+s2+$0x0], $0xffff;
	v43 =	vmax.f32 v39, v10;
	v54 =	vmin.f32 v33, v13;
	v13 =	vmin.f32 v19, v17  }
0x7f: {  	v55 =	vld.idx.msk [tilespmem:v34+s2+$0x0], $0xffff;
	v19 =	vmax.f32 v43, v17;
	v40 =	vmin.f32 v18, v16;
	v17 =	vmin.f32 v24, v20  }
0x80: {  	v43 =	vmax.f32 v15, v62;
	v24 =	vmin.f32 v13, v23;
	v23 =	vmax.f32 v19, v23;
	v19 =	vld.idx.msk [tilespmem:v27+s2+$0x0], $0xffff  }
0x81: {  	v48 =	vmovc v6;
	v56 =	vmin.f32 v56, v26;
	v44 =	vmov v4;
	v10 =	vmov v37;
	v18 =	vld.idx.msk [tilespmem:v31+s2+$0x0], $0xffff  }
0x82: {  	v15 =	vmax.f32 v35, v58;
	v58 =	vld.idx.msk [tilespmem:v25+s2+$0x0], $0xffff;
	v13 =	vmin.f32 v46, v0;
	v25 =	vmin.f32 v40, v38  }
0x83: {  	s23 =	simm.s32 $0x0;
	s24 =	simm.s32 $0x70;
	v46 =	vmovc v5;
	v13 =	vmin.f32 v13, v11;
	v11 =	vmax.f32 v43, v53;
	v40 =	vmovc v36;
	v43 =	vmov v3  }
.LBB2_4:
0x84: {  	v0 =	vmov s24  }
0x85: {  	s25 =	sadd.s32 $0xFFFFFFD0, s24;
	v20 =	vmax.f32 v45, v20;
	v16 =	vmax.f32 v21, v16;
	v61 =	vmin.f32 v61, v19  }
0x86: {  	v19 =	vmax.f32 v59, v19;
	v21 =	vmov s25;
	v0 =	vmul.u32 $0xA, v0  }
0x87: {  	[tilespmem:$0x1FE40] =	vst v11;
	s26 =	sadd.s32 $0xFFFFFFE0, s24;
	v11 =	vld [tilespmem:$0x1FFE0];
	v62 =	vmin.f32 v13, v62;
	v39 =	vmax.f32 v51, v50;
	v21 =	vmul.u32 $0xA, v21  }
0x88: {  	[tilespmem:$0x1FE60] =	vst v24;
	s28 =	sadd.s32 $0xFFFFFFF0, s24;
	v24 =	vld.idx.msk [tilespmem:v41+s2+$0x0], $0xffff;
	v56 =	vmin.f32 v56, v55;
	v34 =	vmov s26;
	v0 =	vbroadcast v0, $0x0  }
0x89: {  	[tilespmem:$0x1FE70] =	vst v23;
	v47 =	vld.idx.msk [tilespmem:v47+s2+$0x0], $0xffff;
	v23 =	vmov s28;
	v2 =	vmax.f32 v16, v38;
	v21 =	vbroadcast v21, $0x0  }
0x8a: {  	v27 =	vld.idx.msk [tilespmem:v42+s2+$0x0], $0xffff;
	v45 =	vmul.u32 $0xA, v34;
	v23 =	vmul.u32 $0xA, v23;
	v5 =	vadd.s32 v40, v0  }
0x8b: {  	v31 =	vld.idx.msk [tilespmem:v8+s2+$0x0], $0xffff;
	v61 =	vmin.f32 v61, v58;
	v14 =	vmin.f32 v14, v18;
	v35 =	vadd.s32 v1, v21  }
0x8c: {  	v59 =	vbroadcast v45, $0x0;
	v12 =	vmax.f32 v12, v18;
	v18 =	vld.idx.msk [tilespmem:v60+s2+$0x0], $0xffff;
	v45 =	vadd.s32 v11, v21  }
0x8d: {  	v19 =	vmax.f32 v19, v58;
	v60 =	vmax.f32 v63, v55;
	v29 =	vld.idx.msk [tilespmem:v9+s2+$0x0], $0xffff;
	v38 =	vadd.s32 v46, v21  }
0x8e: {  	[tilespmem:$0x1FE50] =	vst v2;
	v63 =	vmovc v25;
	v9 =	vld [tilespmem:$0x1FFF0];
	v23 =	vbroadcast v23, $0x0;
	v14 =	vmin.f32 v14, v24;
	v16 =	vadd.s32 v44, v21  }
0x8f: {  	v20 =	vmax.f32 v20, v47;
	v34 =	vadd.s32 v43, v0;
	v13 =	vadd.s32 v40, v59;
	v5 =	vld.idx.msk [tilespmem:v5+s2+$0x0], $0xffff  }
0x90: {  	v41 =	vadd.s32 v44, v0;
	v47 =	vmin.f32 v17, v47;
	v3 =	vmax.f32 v39, v27;
	v32 =	vld.idx.msk [tilespmem:v35+s2+$0x0], $0xffff  }
0x91: {  	v4 =	vadd.s32 v11, v0;
	v39 =	vmin.f32 v62, v53;
	v25 =	vadd.s32 v40, v21;
	v45 =	vld.idx.msk [tilespmem:v45+s2+$0x0], $0xffff  }
0x92: {  	v8 =	vadd.s32 v7, v0;
	v12 =	vmax.f32 v12, v24;
	v6 =	vadd.s32 v48, v59;
	v51 =	vld.idx.msk [tilespmem:v38+s2+$0x0], $0xffff  }
0x93: {  	v57 =	vmax.f32 v57, v31;
	v58 =	vmin.f32 v54, v31;
	v26 =	vadd.s32 v10, v21;
	v16 =	vld.idx.msk [tilespmem:v16+s2+$0x0], $0xffff  }
0x94: {  	v42 =	vadd.s32 v7, v21;
	v28 =	vadd.s32 v1, v59;
	v37 =	vadd.s32 v48, v21;
	v17 =	vld.idx.msk [tilespmem:v13+s2+$0x0], $0xffff  }
0x95: {  	v30 =	vadd.s32 v44, v59;
	v33 =	vadd.s32 v46, v59;
	v55 =	vadd.s32 v1, v23;
	v38 =	vld.idx.msk [tilespmem:v34+s2+$0x0], $0xffff  }
0x96: {  	v36 =	vadd.s32 v43, v59;
	[tilespmem:$0x1FE90] =	vst v4;
	v50 =	vadd.s32 v9, v21;
	v25 =	vld.idx.msk [tilespmem:v25+s2+$0x0], $0xffff  }
0x97: {  	v4 =	vadd.s32 v48, v0;
	v53 =	vadd.s32 v40, v23;
	v24 =	vadd.s32 v48, v23;
	v6 =	vld.idx.msk [tilespmem:v6+s2+$0x0], $0xffff  }
0x98: {  	v62 =	vadd.s32 v10, v23;
	[tilespmem:$0x1FE80] =	vst v4;
	v2 =	vadd.s32 v9, v59;
	v26 =	vld.idx.msk [tilespmem:v26+s2+$0x0], $0xffff  }
0x99: {  	v4 =	vadd.s32 v10, v59;
	v60 =	vmax.f32 v60, v18;
	v20 =	vmax.f32 v20, v29;
	v37 =	vld.idx.msk [tilespmem:v37+s2+$0x0], $0xffff  }
0x9a: {  	v29 =	vmin.f32 v47, v29;
	v18 =	vmin.f32 v56, v18;
	v47 =	vadd.s32 v11, v23;
	v54 =	vld.idx.msk [tilespmem:v55+s2+$0x0], $0xffff  }
0x9b: {  	v56 =	vadd.s32 v9, v23;
	v35 =	vadd.s32 v7, v59;
	v13 =	vadd.s32 v9, v0;
	v50 =	vld.idx.msk [tilespmem:v50+s2+$0x0], $0xffff  }
0x9c: {  	v55 =	vadd.s32 v43, v23;
	v34 =	vmax.f32 v15, v32;
	v15 =	vld.idx.msk [tilespmem:v42+s2+$0x0], $0xffff;
	v42 =	vadd.s32 v10, v0  }
0x9d: {  	v2 =	vld.idx.msk [tilespmem:v2+s2+$0x0], $0xffff;
	v29 =	vmin.f32 v29, v45;
	v45 =	vmax.f32 v20, v45;
	v20 =	vadd.s32 v43, v21  }
0x9e: {  	v4 =	vld.idx.msk [tilespmem:v4+s2+$0x0], $0xffff;
	v21 =	vadd.s32 v11, v59;
	v32 =	vmin.f32 v52, v32;
	v14 =	vmin.f32 v14, v16  }
0x9f: {  	v12 =	vmax.f32 v12, v16;
	v16 =	vld.idx.msk [tilespmem:v28+s2+$0x0], $0xffff;
	v52 =	vadd.s32 v1, v0;
	v18 =	vmin.f32 v18, v51  }
0xa0: {  	v36 =	vld.idx.msk [tilespmem:v36+s2+$0x0], $0xffff;
	v19 =	vmax.f32 v19, v37;
	v59 =	vmax.f32 v57, v50;
	v28 =	vmin.f32 v58, v50  }
0xa1: {  	v35 =	vld.idx.msk [tilespmem:v35+s2+$0x0], $0xffff;
	v57 =	vmax.f32 v60, v51;
	v60 =	vadd.s32 v46, v0;
	v0 =	vmax.f32 v3, v26  }
0xa2: {  	v50 =	vld.idx.msk [tilespmem:v62+s2+$0x0], $0xffff;
	v3 =	vadd.s32 v46, v23;
	v31 =	vmax.f32 v59, v2;
	v2 =	vmin.f32 v28, v2  }
0xa3: {  	v28 =	vadd.s32 v44, v23;
	v51 =	vmax.f32 v0, v4;
	v0 =	vadd.s32 v7, v23;
	v23 =	vld.idx.msk [tilespmem:v56+s2+$0x0], $0xffff  }
0xa4: {  	v32 =	vmin.f32 v32, v16;
	v34 =	vmax.f32 v34, v16;
	v58 =	vld.idx.msk [tilespmem:v20+s2+$0x0], $0xffff;
	v16 =	vmin.f32 v61, v37  }
0xa5: {  	v59 =	vmax.f32 v19, v6;
	v61 =	vmin.f32 v16, v6;
	v6 =	vld [tilespmem:$0x1FE40]  }
0xa6: {  	v9 =	vld.idx.msk [tilespmem:v52+s2+$0x0], $0xffff  }
0xa7: {  	v16 =	vld.idx.msk [tilespmem:v55+s2+$0x0], $0xffff  }
0xa8: {  	v27 =	vmin.f32 v49, v27;
	v55 =	vld.idx.msk [tilespmem:v3+s2+$0x0], $0xffff  }
0xa9: {  	v26 =	vmin.f32 v27, v26;
	v62 =	vld.idx.msk [tilespmem:v0+s2+$0x0], $0xffff;
	v3 =	vmin.f32 v63, v58  }
0xaa: {  	v4 =	vmin.f32 v26, v4;
	v6 =	vmax.f32 v6, v15;
	v0 =	vmin.f32 v3, v36;
	v3 =	vld [tilespmem:$0x1FE60]  }
0xab: {  	v49 =	vmin.f32 v4, v50;
	v4 =	vmax.f32 v6, v35;
	v6 =	vld [tilespmem:$0x1FE50]  }
0xac: {  	v27 =	vld.idx.msk [tilespmem:v53+s2+$0x0], $0xffff  }
0xad: {  	v33 =	vld.idx.msk [tilespmem:v33+s2+$0x0], $0xffff  }
0xae: {  	v30 =	vld.idx.msk [tilespmem:v30+s2+$0x0], $0xffff;
	v19 =	vmin.f32 v32, v54  }
0xaf: {  	v20 =	vld.idx.msk [tilespmem:v21+s2+$0x0], $0xffff;
	v26 =	vmax.f32 v34, v54;
	v54 =	vmin.f32 v2, v23;
	v3 =	vmin.f32 v3, v25  }
0xb0: {  	v52 =	vmin.f32 v19, v9;
	v19 =	vld.idx.msk [tilespmem:v24+s2+$0x0], $0xffff;
	v6 =	vmax.f32 v6, v58;
	v2 =	vmin.f32 v3, v17  }
0xb1: {  	v21 =	vmax.f32 v6, v36;
	v6 =	vld [tilespmem:$0x1FE70];
	v2 =	vmin.f32 v2, v27  }
0xb2: {  	v24 =	vmin.f32 v2, v5;
	v2 =	vld [tilespmem:$0x1FE80];
	_ =	sdelay $0x2  }
0xb3: {  	s23 =	sadd.s32 $0x4, s23  }
0xb4: {  	p0 =	slt.u32 s23, $0x3C;
	v14 =	vmin.f32 v14, v30;
	v12 =	vmax.f32 v12, v30;
	v53 =	vld.idx.msk [tilespmem:v8+s2+$0x0], $0xffff  }
.Ltmp1:
0xb5: {  	v56 =	vmin.f32 v18, v33;
	v63 =	vmax.f32 v57, v33;
	v6 =	vmax.f32 v6, v25;
	(pc) =	sbr.rel @p0 .LBB2_4-.Ltmp1, $4  }
0xb6: {  	v57 =	vmax.f32 v31, v23;
	v0 =	vmin.f32 v0, v16;
	v3 =	vmax.f32 v6, v17  }
0xb7: {  	v18 =	vld.idx.msk [tilespmem:v28+s2+$0x0], $0xffff;
	v25 =	vmin.f32 v0, v38;
	v17 =	vmin.f32 v29, v20;
	v3 =	vmax.f32 v3, v27  }
0xb8: {  	v23 =	vmax.f32 v3, v5;
	v3 =	vmax.f32 v4, v62;
	v58 =	vld.idx.msk [tilespmem:v2+s2+$0x0], $0xffff;
	v2 =	vmin.f32 v39, v15  }
0xb9: {  	s24 =	sadd.s32 $0x40, s24;
	v8 =	vmovc v13;
	v15 =	vmax.f32 v26, v9;
	v9 =	vld [tilespmem:$0x1FE90];
	v11 =	vmax.f32 v3, v53;
	v13 =	vmin.f32 v2, v35  }
0xba: {  	_ =	sdelay $0x3  }
0xbb: {  	v0 =	vld.idx.msk [tilespmem:v41+s2+$0x0], $0xffff  }
0xbc: {  	v2 =	vld.idx.msk [tilespmem:v47+s2+$0x0], $0xffff  }
0xbd: {  	v4 =	vld.idx.msk [tilespmem:v60+s2+$0x0], $0xffff  }
0xbe: {  	v5 =	vld.idx.msk [tilespmem:v8+s2+$0x0], $0xffff  }
0xbf: {  	v6 =	vld.idx.msk [tilespmem:v42+s2+$0x0], $0xffff  }
0xc0: {  	v3 =	vld.idx.msk [tilespmem:v9+s2+$0x0], $0xffff;
	[tilespmem:$0x3100] =	vst v52  }
0xc1: {  	[tilespmem:$0x31A0] =	vst v15  }
0xc2: {  	[tilespmem:$0x3130] =	vst v24  }
0xc3: {  	[tilespmem:$0x31D0] =	vst v23  }
0xc4: {  	v7 =	vmax.f32 v45, v20;
	[tilespmem:$0x3150] =	vst v25;
	v48 =	vmin.f32 v17, v2  }
0xc5: {  	[tilespmem:$0x3230] =	vst v11;
	v2 =	vmax.f32 v7, v2;
	v52 =	vmin.f32 v48, v3  }
0xc6: {  	v2 =	vmax.f32 v2, v3;
	[tilespmem:$0x3110] =	vst v52  }
0xc7: {  	v3 =	vmin.f32 v54, v5;
	[tilespmem:$0x31B0] =	vst v2  }
0xc8: {  	v2 =	vmax.f32 v57, v5;
	[tilespmem:$0x3120] =	vst v3  }
0xc9: {  	v3 =	vmin.f32 v49, v6;
	[tilespmem:$0x31C0] =	vst v2;
	v2 =	vmax.f32 v51, v50  }
0xca: {  	[tilespmem:$0x3140] =	vst v3;
	v3 =	vmax.f32 v21, v16;
	v2 =	vmax.f32 v2, v6  }
0xcb: {  	v3 =	vmax.f32 v3, v38;
	[tilespmem:$0x31E0] =	vst v2;
	v2 =	vmin.f32 v14, v18  }
0xcc: {  	v57 =	vmax.f32 v12, v18;
	[tilespmem:$0x31F0] =	vst v3;
	v2 =	vmin.f32 v2, v0  }
0xcd: {  	v3 =	vmin.f32 v56, v55;
	v0 =	vmax.f32 v57, v0;
	[tilespmem:$0x3160] =	vst v2  }
0xce: {  	v3 =	vmin.f32 v3, v4;
	v2 =	vmax.f32 v63, v55;
	[tilespmem:$0x3200] =	vst v0  }
0xcf: {  	v0 =	vmin.f32 v61, v19;
	[tilespmem:$0x3170] =	vst v3;
	v2 =	vmax.f32 v2, v4  }
0xd0: {  	v3 =	vmax.f32 v59, v19;
	v0 =	vmin.f32 v0, v58;
	[tilespmem:$0x3210] =	vst v2  }
0xd1: {  	v3 =	vmax.f32 v3, v58;
	v2 =	vmin.f32 v13, v62;
	[tilespmem:$0x3180] =	vst v0  }
0xd2: {  	[tilespmem:$0x3220] =	vst v3;
	v0 =	vmin.f32 v2, v53  }
0xd3: {  	[tilespmem:$0x3190] =	vst v0  }
0xd4: {  	v35 =	vld [tilespmem:$0x1FFF0];
	[spmem:s6] =	stream.linear.scatter [tilespmem:s12], [sflag:$0x3], $0x140, $0x38  }
0xd5: {  	v34 =	vld [tilespmem:$0x1FFE0];
	_ =	swait.ge [sflag:s13], $0x140  }
0xd6: {  	[sflag:s13] =	ssyncset.done $0x0  }
0xd7: {  	[sflag:s13] =	ssyncadd.s32 $0xFFFFFEC0  }
0xd8: {  	[bflag:$0x0] =	sbarrier.arrive $0xFFFF  }
0xd9: {  	[tilespmem:s14], [sflag:$0x3] =	stream.linear.gather [spmem:s1], $0x1400, $0x38;
	[tilespmem:$0x8BC0] =	vst v63  }
0xda: {  	_ =	swait.ge [sflag:s13], $0x1400  }
0xdb: {  	s23 =	simm.s32 $0x0;
	[sflag:s13] =	ssyncset.done $0x0  }
0xdc: {  	s23 =	sand.u32 $0x1FC0, s23;
	[sflag:s13] =	ssyncadd.s32 $0xFFFFEC00  }
0xdd: {  	s24 =	simm.s32 $0x3320;
	v0 =	vld [tilespmem:s23+$0x3300]  }
0xde: {  	v2 =	vld [tilespmem:s24+$0x90]  }
0xdf: {  	v3 =	vld [tilespmem:s24+$0x0]  }
0xe0: {  	v58 =	vld [tilespmem:s24+$0xFFFFFF70]  }
0xe1: {  	v59 =	vld [tilespmem:s24+$0x10]  }
0xe2: {  	v60 =	vld [tilespmem:s24+$0xFFFFFF80]  }
0xe3: {  	v61 =	vld [tilespmem:s24+$0x20]  }
0xe4: {  	v62 =	vld [tilespmem:s24+$0xFFFFFF90]  }
0xe5: {  	v63 =	vld [tilespmem:s24+$0x30]  }
0xe6: {  	v12 =	vld [tilespmem:s24+$0xFFFFFFA0]  }
0xe7: {  	v13 =	vld [tilespmem:s24+$0x40]  }
0xe8: {  	v14 =	vld [tilespmem:s24+$0xFFFFFFB0]  }
0xe9: {  	v15 =	vld [tilespmem:s24+$0x50]  }
0xea: {  	v17 =	vld [tilespmem:s24+$0xFFFFFFC0]  }
0xeb: {  	v36 =	vmov v40;
	v39 =	vimm.f32 $+Inf;
	v40 =	vimm.f32 $-Inf;
	v19 =	vld [tilespmem:s24+$0xFFFFFFD0]  }
0xec: {  	v21 =	vimm.f32 $+Inf;
	v41 =	vmin.f32 v39, v0;
	v38 =	vmax.f32 v40, v2;
	v0 =	vld [tilespmem:s24+$0x70]  }
0xed: {  	v44 =	vld [tilespmem:s24+$0x80];
	v18 =	vmax.f32 v40, v3;
	v51 =	vmin.f32 v39, v58;
	v50 =	vmax.f32 v40, v59  }
0xee: {  	v43 =	vld [tilespmem:s24+$0xFFFFFFF0];
	v49 =	vmin.f32 v39, v60;
	v48 =	vmax.f32 v40, v61;
	v47 =	vmin.f32 v39, v62  }
0xef: {  	s25 =	simm.s32 $0x140;
	v52 =	vld [tilespmem:s24+$0xFFFFFF60];
	v46 =	vmax.f32 v40, v63;
	v45 =	vmin.f32 v39, v12;
	v42 =	vmax.f32 v40, v13  }
0xf0: {  	v20 =	vld [tilespmem:s23+$0x3380];
	v16 =	vmin.f32 v39, v14;
	v15 =	vmax.f32 v40, v15;
	v14 =	vmin.f32 v39, v17;
	s24 =	sand.u32 $0x1FC0, s25  }
0xf1: {  	v37 =	vmovc v10;
	s23 =	simm.s32 $0x3460;
	v13 =	vmin.f32 v39, v19;
	s25 =	simm.s32 $0x280;
	v17 =	vimm.f32 $-Inf;
	v19 =	vld [tilespmem:s24+$0x3300];
	v12 =	vmax.f32 v40, v0  }
.LBB2_6:
0xf2: {  	p0 =	sne.s32 s25, $0x12C0;
	v0 =	vld [tilespmem:s23+$0x90];
	v40 =	vmax.f32 v40, v44  }
0xf3: {  	v2 =	vld [tilespmem:s23+$0x0];
	v39 =	vmin.f32 v39, v43  }
0xf4: {  	v3 =	vld [tilespmem:s23+$0xFFFFFF70];
	v21 =	vmin.f32 v21, v52  }
0xf5: {  	v4 =	vld [tilespmem:s23+$0x10];
	v17 =	vmax.f32 v17, v20  }
0xf6: {  	v5 =	vld [tilespmem:s23+$0xFFFFFF80]  }
0xf7: {  	v41 =	vmin.f32 v41, v19;
	v6 =	vld [tilespmem:s23+$0x20];
	v38 =	vmax.f32 v38, v0  }
0xf8: {  	v18 =	vmax.f32 v18, v2;
	v0 =	vld [tilespmem:s23+$0xFFFFFF90]  }
0xf9: {  	v51 =	vmin.f32 v51, v3;
	v2 =	vld [tilespmem:s23+$0x30]  }
0xfa: {  	v50 =	vmax.f32 v50, v4;
	v3 =	vld [tilespmem:s23+$0xFFFFFFA0]  }
0xfb: {  	v49 =	vmin.f32 v49, v5;
	v4 =	vld [tilespmem:s23+$0x40]  }
0xfc: {  	v48 =	vmax.f32 v48, v6;
	v5 =	vld [tilespmem:s23+$0xFFFFFFB0]  }
0xfd: {  	v47 =	vmin.f32 v47, v0;
	v0 =	vld [tilespmem:s23+$0x50]  }
0xfe: {  	v46 =	vmax.f32 v46, v2;
	v2 =	vld [tilespmem:s23+$0xFFFFFFC0]  }
0xff: {  	v45 =	vmin.f32 v45, v3;
	v3 =	vld [tilespmem:s23+$0xFFFFFFD0]  }
0x100: {  	v42 =	vmax.f32 v42, v4;
	v4 =	vld [tilespmem:s23+$0x70]  }
.Ltmp2:
0x101: {  	v16 =	vmin.f32 v16, v5;
	v44 =	vld [tilespmem:s23+$0x80];
	(pc) =	sbr.rel @p0 .LBB2_6-.Ltmp2, $4  }
0x102: {  	v15 =	vmax.f32 v15, v0;
	v43 =	vld [tilespmem:s23+$0xFFFFFFF0]  }
0x103: {  	v52 =	vld [tilespmem:s23+$0xFFFFFF60];
	v14 =	vmin.f32 v14, v2  }
0x104: {  	v20 =	vld [tilespmem:s24+$0x3380];
	s24 =	sand.u32 $0x1FC0, s25;
	v13 =	vmin.f32 v13, v3  }
0x105: {  	s23 =	sadd.s32 $0x140, s23;
	s25 =	sadd.s32 $0x140, s25;
	v19 =	vld [tilespmem:s24+$0x3300];
	v12 =	vmax.f32 v12, v4  }
0x106: {  	v0 =	vld [tilespmem:s23+$0xFFFFFF60]  }
0x107: {  	v2 =	vld [tilespmem:s23+$0x0]  }
0x108: {  	v3 =	vld [tilespmem:s23+$0xFFFFFF70]  }
0x109: {  	v4 =	vld [tilespmem:s23+$0x10]  }
0x10a: {  	v6 =	vld [tilespmem:s23+$0xFFFFFF80];
	v5 =	vmin.f32 v21, v52  }
0x10b: {  	v59 =	vld [tilespmem:s23+$0x20];
	v0 =	vmin.f32 v5, v0  }
0x10c: {  	v2 =	vmax.f32 v18, v2;
	(xrf0) =	vmin.scan.msk.f32 $0xffff, v0;
	v0 =	vld [tilespmem:s23+$0xFFFFFF90]  }
0x10d: {  	v3 =	vmin.f32 v51, v3;
	(xrf0) =	vmax.scan.msk.f32 $0xffff, v2;
	v2 =	vld [tilespmem:s23+$0x30]  }
0x10e: {  	v7 =	vld [tilespmem:s23+$0xFFFFFFA0];
	v4 =	vmax.f32 v50, v4;
	(xrf0) =	vmin.scan.msk.f32 $0xffff, v3  }
0x10f: {  	v60 =	vld [tilespmem:s23+$0x40];
	v3 =	vmin.f32 v49, v6;
	(xrf0) =	vmax.scan.msk.f32 $0xffff, v4  }
0x110: {  	v62 =	vld [tilespmem:s23+$0xFFFFFFB0];
	v61 =	vmax.f32 v48, v59;
	(xrf0) =	vmin.scan.msk.f32 $0xffff, v3  }
0x111: {  	v3 =	vld [tilespmem:s23+$0x50];
	v0 =	vmin.f32 v47, v0;
	(xrf0) =	vmax.scan.msk.f32 $0xffff, v61  }
0x112: {  	v63 =	vld [tilespmem:s23+$0xFFFFFFC0];
	v2 =	vmax.f32 v46, v2;
	v8, _, _ =	vpop (xrf0);
	(xrf0) =	vmin.scan.msk.f32 $0xffff, v0  }
0x113: {  	v28 =	vld [tilespmem:s24+$0x3380];
	v0 =	vmin.f32 v45, v7;
	(v2sf) =	vpush v8, $0xF;
	v9, _, _ =	vpop (xrf0);
	(xrf0) =	vmax.scan.msk.f32 $0xffff, v2  }
0x114: {  	v6 =	vmax.f32 v42, v60;
	v2 =	vld [tilespmem:s23+$0xFFFFFFD0];
	(v2sf) =	vpush v9, $0xF;
	v9, _, _ =	vpop (xrf0);
	(xrf0) =	vmin.scan.msk.f32 $0xffff, v0  }
0x115: {  	v5 =	vmin.f32 v16, v62;
	v0 =	vld [tilespmem:s23+$0x70];
	(v2sf) =	vpush v9, $0xF;
	v16, _, _ =	vpop (xrf0);
	(xrf0) =	vmax.scan.msk.f32 $0xffff, v6  }
0x116: {  	v3 =	vmax.f32 v15, v3;
	v15 =	vld [tilespmem:s23+$0x80];
	(v2sf) =	vpush v16, $0xF;
	v29, _, _ =	vpop (xrf0);
	(xrf0) =	vmin.scan.msk.f32 $0xffff, v5  }
0x117: {  	v30 =	vmax.f32 v17, v20;
	v4 =	vmin.f32 v14, v63;
	(v2sf) =	vpush v29, $0xF;
	v14, _, _ =	vpop (xrf0);
	(xrf0) =	vmax.scan.msk.f32 $0xffff, v3;
	v3 =	vld [tilespmem:s23+$0xFFFFFFF0]  }
0x118: {  	v32 =	vld [tilespmem:s23+$0x90];
	v5 =	vmax.f32 v30, v28;
	(v2sf) =	vpush v14, $0xF;
	v31, _, _ =	vpop (xrf0);
	(xrf0) =	vmin.scan.msk.f32 $0xffff, v4  }
0x119: {  	v2 =	vmin.f32 v13, v2;
	(v2sf) =	vpush v31, $0xF;
	v13, _, _ =	vpop (xrf0);
	(xrf0) =	vmax.scan.msk.f32 $0xffff, v5  }
0x11a: {  	v0 =	vmax.f32 v12, v0;
	v12 =	vmin.f32 v41, v19;
	(v2sf) =	vpush v13, $0xF;
	v33, _, _ =	vpop (xrf0);
	(xrf0) =	vmin.scan.msk.f32 $0xffff, v2  }
0x11b: {  	v2 =	vmax.f32 v40, v44;
	(v2sf) =	vpush v33, $0xF;
	v13, _, _ =	vpop (xrf0);
	(xrf0) =	vmax.scan.msk.f32 $0xffff, v0;
	v0 =	vmin.f32 v39, v43  }
0x11c: {  	v2 =	vmax.f32 v2, v15;
	(v2sf) =	vpush v13, $0xF;
	v13, _, _ =	vpop (xrf0);
	(xrf0) =	vmin.scan.msk.f32 $0xffff, v12;
	v0 =	vmin.f32 v0, v3  }
0x11d: {  	(v2sf) =	vpush v13, $0xF;
	v3, _, _ =	vpop (xrf0);
	(xrf0) =	vmax.scan.msk.f32 $0xffff, v2;
	v2 =	vmax.f32 v38, v32  }
0x11e: {  	(v2sf) =	vpush v3, $0xF;
	v3, _, _ =	vpop (xrf0);
	(xrf0) =	vmin.scan.msk.f32 $0xffff, v0  }
0x11f: {  	(v2sf) =	vpush v3, $0xF;
	v0, _, _ =	vpop (xrf0);
	(xrf0) =	vmax.scan.msk.f32 $0xffff, v2  }
0x120: {  	v2, _, _ =	vpop (xrf0);
	(v2sf) =	vpush v0, $0xF  }
0x121: {  	v0, _, _ =	vpop (xrf0);
	(v2sf) =	vpush v2, $0xF  }
0x122: {  	v39, _, _ =	vpop (xrf0);
	s24 =	spop (v2sf);
	(v2sf) =	vpush v0, $0xF  }
0x123: {  	v0, _, _ =	vpop (xrf0);
	s30 =	spop (v2sf);
	(v2sf) =	vpush v39, $0xF  }
0x124: {  	v12, _, _ =	vpop (xrf0);
	s25 =	spop (v2sf);
	(v2sf) =	vpush v0, $0xF;
	s23 =	ssub.f32 s30, s24  }
0x125: {  	s26 =	spop (v2sf);
	(v2sf) =	vpush v12, $0xF;
	v0, _, _ =	vpop (xrf0)  }
0x126: {  	s28 =	spop (v2sf);
	(v2sf) =	vpush v0, $0xF;
	v0 =	vmov s23  }
0x127: {  	(erf) = vrcp.f32 v0;
	_ =	sdelay $0x1  }
0x128: {  	s29 =	spop (v2sf)  }
0x129: {  	s24 =	spop (v2sf)  }
0x12a: {  	s25 =	ssub.f32 s26, s25;
	s31 =	spop (v2sf)  }
0x12b: {  	s28 =	ssub.f32 s29, s28;
	s26 =	spop (v2sf)  }
0x12c: {  	v10 =	vimm.s32 $0x0;
	v0 =	vmov s25;
	s25 =	spop (v2sf)  }
0x12d: {  	(erf) = vrcp.f32 v0;
	v0 =	vmov s28;
	s30 =	spop (v2sf)  }
0x12e: {  	s23 =	ssub.f32 s31, s24;
	(erf) = vrcp.f32 v0;
	s28 =	spop (v2sf)  }
0x12f: {  	v8 =	vbroadcast v8, $0xF;
	s24 =	spop (v2sf);
	v14 =	vpop (erf)  }
0x130: {  	v0 =	vmov s23;
	s25 =	ssub.f32 s25, s26;
	s31 =	spop (v2sf);
	v14 =	vmul.f32 $5.000000000e+01, v14  }
0x131: {  	[tilespmem:v10+s15+$0x0] =	vst.idx.msk $0xffff, v8;
	(erf) = vrcp.f32 v0;
	s28 =	ssub.f32 s28, s30;
	s26 =	spop (v2sf)  }
0x132: {  	v0 =	vmov s25;
	s25 =	spop (v2sf);
	[tilespmem:v10+s16+$0x0] =	vst.idx.msk $0xffff, v14;
	v10 =	vimm.s32 $0x1  }
0x133: {  	v8 =	vbroadcast v9, $0xF;
	(erf) = vrcp.f32 v0;
	v0 =	vmov s28;
	s23 =	ssub.f32 s31, s24;
	s30 =	spop (v2sf)  }
0x134: {  	s25 =	ssub.f32 s25, s26;
	s31 =	spop (v2sf)  }
0x135: {  	(erf) = vrcp.f32 v0;
	v9 =	vmov s23;
	s26 =	spop (v2sf);
	s30 =	ssub.f32 s31, s30  }
0x136: {  	v0 =	vpop (erf);
	(erf) = vrcp.f32 v9;
	v9 =	vmov s25;
	s31 =	spop (v2sf)  }
0x137: {  	v0 =	vmul.f32 $5.000000000e+01, v0;
	s24 =	ssub.f32 s31, s26;
	[tilespmem:v10+s15+$0x0] =	vst.idx.msk $0xffff, v8;
	v8 =	vpop (erf);
	(erf) = vrcp.f32 v9;
	v9 =	vmov s30  }
0x138: {  	(erf) = vrcp.f32 v9;
	v9 =	vimm.s32 $0x2  }
0x139: {  	[tilespmem:v10+s16+$0x0] =	vst.idx.msk $0xffff, v0;
	v0 =	vmul.f32 $5.000000000e+01, v8;
	v8 =	vmov s24  }
0x13a: {  	v40 =	vpop (erf);
	(erf) = vrcp.f32 v8;
	v8 =	vimm.s32 $0x3  }
0x13b: {  	v6 =	vbroadcast v29, $0xF  }
0x13c: {  	v43 =	vimm.s32 $0x4  }
0x13d: {  	v7 =	vbroadcast v31, $0xF;
	[tilespmem:v9+s15+$0x0] =	vst.idx.msk $0xffff, v6  }
0x13e: {  	v46 =	vimm.s32 $0x5;
	[tilespmem:v9+s16+$0x0] =	vst.idx.msk $0xffff, v0;
	v0 =	vmul.f32 $5.000000000e+01, v40  }
0x13f: {  	v5 =	vbroadcast v33, $0xF;
	v41 =	vpop (erf);
	[tilespmem:v8+s15+$0x0] =	vst.idx.msk $0xffff, v7  }
0x140: {  	v49 =	vimm.s32 $0x6;
	[tilespmem:v8+s16+$0x0] =	vst.idx.msk $0xffff, v0;
	v0 =	vmul.f32 $5.000000000e+01, v41  }
0x141: {  	v44 =	vbroadcast v13, $0xF;
	v42 =	vpop (erf);
	[tilespmem:v43+s15+$0x0] =	vst.idx.msk $0xffff, v5  }
0x142: {  	v52 =	vimm.s32 $0x7;
	[tilespmem:v43+s16+$0x0] =	vst.idx.msk $0xffff, v0;
	v0 =	vmul.f32 $5.000000000e+01, v42  }
0x143: {  	v24 =	vlaneseq.u32;
	v3 =	vbroadcast v3, $0xF;
	v45 =	vpop (erf);
	[tilespmem:v46+s15+$0x0] =	vst.idx.msk $0xffff, v44  }
0x144: {  	v58 =	vimm.s32 $0x9;
	s26 =	simm.s32 $0x20;
	v8 =	vimm.s32 $0x8;
	[tilespmem:v46+s16+$0x0] =	vst.idx.msk $0xffff, v0;
	v0 =	vmul.f32 $5.000000000e+01, v45  }
0x145: {  	v56 =	vmul.u32 $0x3, v24;
	v2 =	vbroadcast v2, $0xF;
	v57 =	vmov s26;
	s24 =	simm.s32 $0x30;
	v47 =	vpop (erf);
	[tilespmem:v49+s15+$0x0] =	vst.idx.msk $0xffff, v3  }
0x146: {  	v51 =	vmov s24;
	v6 =	vmul.u32 $0x3, v57;
	[tilespmem:v49+s16+$0x0] =	vst.idx.msk $0xffff, v0;
	v0 =	vmul.f32 $5.000000000e+01, v47  }
0x147: {  	v38 =	vadd.s32 $0x1, v56;
	s29 =	simm.s32 $0x70;
	v54 =	vmul.u32 $0x3, v51;
	v48 =	vpop (erf);
	[tilespmem:v52+s15+$0x0] =	vst.idx.msk $0xffff, v2;
	v2 =	vbroadcast v39, $0xF  }
0x148: {  	v60 =	vmov s29;
	s25 =	simm.s32 $0x10;
	v59 =	vbroadcast v6, $0x0;
	v3 =	vmul.f32 $5.000000000e+01, v48;
	[tilespmem:v52+s16+$0x0] =	vst.idx.msk $0xffff, v0  }
0x149: {  	s23 =	simm.s32 $0x0;
	v55 =	vmov s25;
	v5 =	vbroadcast v54, $0x0;
	v50 =	vpop (erf);
	v0 =	vbroadcast v12, $0xF;
	[tilespmem:v8+s15+$0x0] =	vst.idx.msk $0xffff, v2  }
0x14a: {  	v53 =	vmul.f32 $5.000000000e+01, v50;
	v2 =	vmul.u32 $0x3, v55;
	[tilespmem:v8+s16+$0x0] =	vst.idx.msk $0xffff, v3;
	v3 =	vmov s23  }
0x14b: {  	[tilespmem:v58+s15+$0x0] =	vst.idx.msk $0xffff, v0;
	v0 =	vmul.u32 $0x3, v3;
	v3 =	vadd.s32 v38, v5;
	v5 =	vmul.u32 $0x3, v60  }
0x14c: {  	v2 =	vbroadcast v2, $0x0  }
0x14d: {  	s30 =	simm.s32 $0x40;
	v4 =	vadd.s32 v38, v59;
	[tilespmem:v58+s16+$0x0] =	vst.idx.msk $0xffff, v53;
	v5 =	vbroadcast v5, $0x0  }
0x14e: {  	s31 =	simm.s32 $0x50;
	v61 =	vmov s30;
	_ =	swait.ge [sflag:s17], $0x600;
	v2 =	vadd.s32 v38, v2  }
0x14f: {  	v62 =	vmov s31;
	s31 =	simm.s32 $0xA0;
	v6 =	vmul.u32 $0x3, v61;
	[sflag:s17] =	ssyncset.done $0x0;
	v5 =	vadd.s32 v38, v5  }
0x150: {  	v14 =	vmov s31;
	[sflag:s17] =	ssyncadd.s32 $0xFFFFFA00  }
0x151: {  	s25 =	simm.s32 $0x60;
	s30 =	simm.s32 $0x90;
	v14 =	vmul.u32 $0x3, v14;
	v6 =	vbroadcast v6, $0x0;
	v3 =	vld.idx.msk [tilespmem:v3+s10+$0x0], $0xffff  }
0x152: {  	v13 =	vmov s30;
	v7 =	vmul.u32 $0x3, v62;
	v8 =	vmov s25;
	v4 =	vld.idx.msk [tilespmem:v4+s10+$0x0], $0xffff  }
0x153: {  	v6 =	vor.u32 v38, v6;
	v8 =	vmul.u32 $0x3, v8;
	v0 =	vbroadcast v0, $0x0;
	v2 =	vld.idx.msk [tilespmem:v2+s10+$0x0], $0xffff  }
0x154: {  	v13 =	vmul.u32 $0x3, v13;
	v7 =	vbroadcast v7, $0x0;
	v5 =	vld.idx.msk [tilespmem:v5+s10+$0x0], $0xffff  }
0x155: {  	s29 =	simm.s32 $0xB0;
	v15 =	vbroadcast v14, $0x0;
	v8 =	vbroadcast v8, $0x0;
	v0 =	vor.u32 v38, v0  }
0x156: {  	v7 =	vadd.s32 v38, v7;
	v12 =	vmov s29;
	v3 =	vtrunc.f32 v3  }
0x157: {  	v8 =	vadd.s32 v38, v8;
	v4 =	vtrunc.f32 v4;
	v3 =	vcvt.f32.s32 v3  }
0x158: {  	v12 =	vmul.u32 $0x3, v12;
	v6 =	vld.idx.msk [tilespmem:v6+s10+$0x0], $0xffff;
	v4 =	vcvt.f32.s32 v4;
	v2 =	vtrunc.f32 v2  }
0x159: {  	v3 =	vmul.u32 $0x1F40, v3;
	v2 =	vcvt.f32.s32 v2;
	v5 =	vtrunc.f32 v5  }
0x15a: {  	s26 =	simm.s32 $0x80;
	v12 =	vbroadcast v12, $0x0;
	v0 =	vld.idx.msk [tilespmem:v0+s10+$0x0], $0xffff;
	v4 =	vmul.u32 $0x1F40, v4;
	v5 =	vcvt.f32.s32 v5  }
0x15b: {  	v9 =	vmov s26;
	s25 =	simm.s32 $0x2E20;
	v7 =	vld.idx.msk [tilespmem:v7+s10+$0x0], $0xffff;
	v3 =	vor.u32 v24, v3;
	v2 =	vmul.u32 $0x1F40, v2  }
0x15c: {  	v16 =	vadd.s32 v38, v12;
	v8 =	vld.idx.msk [tilespmem:v8+s10+$0x0], $0xffff;
	v4 =	vor.u32 v24, v4;
	[tilespmem:s25+$0x10] =	vst v3;
	v5 =	vmul.u32 $0x1F40, v5  }
0x15d: {  	v9 =	vmul.u32 $0x3, v9;
	v3 =	vtrunc.f32 v6;
	[tilespmem:s25+$0x0] =	vst v4;
	v2 =	vor.u32 v24, v2  }
0x15e: {  	s24 =	simm.s32 $0x2E60;
	v13 =	vbroadcast v13, $0x0;
	v18 =	vcvt.f32.s32 v3;
	[tilespmem:s25+$0xFFFFFFF0] =	vst v2;
	v3 =	vor.u32 v24, v5  }
0x15f: {  	v9 =	vbroadcast v9, $0x0;
	v0 =	vtrunc.f32 v0;
	[tilespmem:s24+$0x10] =	vst v3  }
0x160: {  	v15 =	vadd.s32 v38, v15;
	v14 =	vadd.s32 v38, v13;
	v0 =	vcvt.f32.s32 v0;
	v55 =	vld [tilespmem:$0x1FFD0]  }
0x161: {  	v12 =	vor.u32 v38, v9;
	v16 =	vld.idx.msk [tilespmem:v16+s10+$0x0], $0xffff;
	v7 =	vtrunc.f32 v7;
	v63 =	vtrunc.f32 v8  }
0x162: {  	v6 =	vcvt.f32.s32 v63;
	v0 =	vmul.u32 $0x1F40, v0;
	v2 =	vcvt.f32.s32 v7;
	v11 =	vld [tilespmem:$0x1FF00]  }
0x163: {  	v53 =	vld [tilespmem:$0x1FFB0]  }
0x164: {  	s28 =	simm.s32 $0xC0;
	s26 =	simm.s32 $0x8;
	v13 =	vmul.u32 $0x1F40, v6;
	v19 =	vor.u32 v24, v0;
	v17 =	vmul.u32 $0x1F40, v2;
	v54 =	vld [tilespmem:$0x1FFC0]  }
.LBB2_8:
0x165: {  	v0 =	vmov s28;
	s29 =	sadd.s32 $0x10, s28;
	s30 =	sadd.s32 $0x30, s28;
	s26 =	sadd.s32 $0x4, s26;
	v2 =	vld.idx.msk [tilespmem:v14+s10+$0x0], $0xffff;
	v3 =	vmul.u32 $0x1F40, v18;
	[tilespmem:s25+$0xFFFFFFE0] =	vst v19  }
0x166: {  	s25 =	smov.u32 s24;
	v0 =	vmul.u32 $0x3, v0;
	v4 =	vmov s29;
	s29 =	sadd.s32 $0x20, s28;
	v5 =	vmov s30;
	p0 =	slt.u32 s26, $0x1C;
	v6 =	vld.idx.msk [tilespmem:v15+s10+$0x0], $0xffff  }
0x167: {  	v4 =	vmul.u32 $0x3, v4;
	v7 =	vmov s29;
	v5 =	vmul.u32 $0x3, v5;
	v8 =	vld.idx.msk [tilespmem:v12+s10+$0x0], $0xffff  }
0x168: {  	v0 =	vbroadcast v0, $0x0;
	v7 =	vmul.u32 $0x3, v7  }
0x169: {  	v9 =	vor.u32 v24, v17;
	v4 =	vbroadcast v4, $0x0;
	v5 =	vbroadcast v5, $0x0  }
0x16a: {  	v12 =	vtrunc.f32 v16;
	v7 =	vbroadcast v7, $0x0;
	[tilespmem:s24+$0xFFFFFFF0] =	vst v9  }
0x16b: {  	v14 =	vadd.s32 v38, v4;
	v4 =	vadd.s32 v38, v5;
	v5 =	vcvt.f32.s32 v12  }
.Ltmp3:
0x16c: {  	v12 =	vor.u32 v38, v0;
	v0 =	vtrunc.f32 v2;
	v15 =	vadd.s32 v38, v7;
	(pc) =	sbr.rel @p0 .LBB2_8-.Ltmp3, $4  }
0x16d: {  	v6 =	vtrunc.f32 v6;
	v2 =	vtrunc.f32 v8;
	v5 =	vmul.u32 $0x1F40, v5  }
0x16e: {  	v0 =	vcvt.f32.s32 v0;
	v6 =	vcvt.f32.s32 v6;
	v7 =	vor.u32 v24, v13  }
0x16f: {  	v19 =	vor.u32 v24, v3;
	s24 =	sadd.s32 $0x40, s24;
	v18 =	vcvt.f32.s32 v2;
	v2 =	vor.u32 v24, v5;
	[tilespmem:s25+$0x0] =	vst v7  }
0x170: {  	s28 =	sadd.s32 $0x40, s28;
	v17 =	vmul.u32 $0x1F40, v0;
	v13 =	vmul.u32 $0x1F40, v6;
	v16 =	vld.idx.msk [tilespmem:v4+s10+$0x0], $0xffff;
	[tilespmem:s24+$0x10] =	vst v2  }
0x171: {  	_ =	sdelay $0x3  }
0x172: {  	v0 =	vld.idx.msk [tilespmem:v14+s10+$0x0], $0xffff  }
0x173: {  	v2 =	vld.idx.msk [tilespmem:v15+s10+$0x0], $0xffff  }
0x174: {  	v3 =	vld.idx.msk [tilespmem:v12+s10+$0x0], $0xffff;
	_ =	sdelay $0x1  }
0x175: {  	v5 =	vmul.u32 $0x1F40, v18;
	v4 =	vtrunc.f32 v16  }
0x176: {  	v6 =	vor.u32 v24, v17;
	v4 =	vcvt.f32.s32 v4;
	v0 =	vtrunc.f32 v0  }
0x177: {  	[tilespmem:s25+$0xFFFFFFE0] =	vst v19;
	v63 =	vor.u32 v24, v13;
	v2 =	vtrunc.f32 v2;
	v0 =	vcvt.f32.s32 v0  }
0x178: {  	[tilespmem:s24+$0xFFFFFFF0] =	vst v6;
	v3 =	vtrunc.f32 v3;
	v2 =	vcvt.f32.s32 v2;
	v4 =	vmul.u32 $0x1F40, v4  }
0x179: {  	[tilespmem:s24+$0x0] =	vst v63;
	v5 =	vor.u32 v24, v5;
	v3 =	vcvt.f32.s32 v3;
	v0 =	vmul.u32 $0x1F40, v0  }
0x17a: {  	s31 =	sadd.s32 $0x40, s24;
	[tilespmem:s24+$0xFFFFFFE0] =	vst v5;
	v2 =	vmul.u32 $0x1F40, v2;
	v4 =	vor.u32 v24, v4  }
0x17b: {  	v3 =	vmul.u32 $0x1F40, v3;
	[tilespmem:s31+$0x10] =	vst v4;
	v0 =	vor.u32 v24, v0  }
0x17c: {  	[tilespmem:s31+$0xFFFFFFF0] =	vst v0;
	v0 =	vor.u32 v24, v2  }
0x17d: {  	v2 =	vor.u32 v24, v3;
	[tilespmem:s31+$0x0] =	vst v0  }
0x17e: {  	[tilespmem:s31+$0xFFFFFFE0] =	vst v2  }
0x17f: {  	v10 =	vld [tilespmem:$0x1FEF0]  }
0x180: {  	v45 =	vld [tilespmem:$0x1FF30]  }
0x181: {  	v46 =	vld [tilespmem:$0x1FF40]  }
0x182: {  	v47 =	vld [tilespmem:$0x1FF50]  }
0x183: {  	v48 =	vld [tilespmem:$0x1FF60]  }
0x184: {  	v49 =	vld [tilespmem:$0x1FF70]  }
0x185: {  	v50 =	vld [tilespmem:$0x1FF80]  }
0x186: {  	v51 =	vld [tilespmem:$0x1FF90]  }
0x187: {  	v52 =	vld [tilespmem:$0x1FFA0]  }
.LBB2_10:
0x188: {  	s24 =	sadd.s32 $0xFFFFFFF0, s9;
	v41 =	vmov s23;
	s29 =	sadd.s32 $0xFFFFFFD0, s9  }
0x189: {  	s30 =	sadd.s32 $0xFFFFFFE0, s9;
	v4 =	vmov s9;
	s31 =	sadd.s32 $0x40, s9;
	v0 =	vmov s24;
	v2 =	vmov s29  }
0x18a: {  	v3 =	vmov s30;
	v4 =	vmul.u32 $0xA, v4;
	v6 =	vmov s31  }
0x18b: {  	s26 =	sadd.s32 $0xFFFFFFF0, s31;
	s28 =	sadd.s32 $0xFFFFFFD0, s31;
	v0 =	vmul.u32 $0xA, v0;
	v2 =	vmul.u32 $0xA, v2;
	v3 =	vmul.u32 $0xA, v3  }
0x18c: {  	v5 =	vmov s26;
	s26 =	sadd.s32 $0xFFFFFFE0, s31;
	v6 =	vmul.u32 $0xA, v6;
	v8 =	vmov s28  }
0x18d: {  	s30 =	sadd.s32 $0x40, s31;
	v4 =	vadd.s32 v41, v4;
	v5 =	vmul.u32 $0xA, v5;
	v7 =	vmov s26  }
0x18e: {  	s24 =	sadd.s32 $0xFFFFFFE0, s30;
	v8 =	vmul.u32 $0xA, v8;
	v0 =	vadd.s32 v41, v0;
	v4 =	vbroadcast v4, $0x0  }
0x18f: {  	v15 =	vmov s24;
	v2 =	vadd.s32 v41, v2;
	v0 =	vbroadcast v0, $0x0  }
0x190: {  	s29 =	simm.s32 $0x2E20;
	v3 =	vadd.s32 v41, v3;
	v2 =	vbroadcast v2, $0x0;
	v4 =	vadd.s32 v1, v4  }
0x191: {  	v9 =	vld [tilespmem:s29+$0x0];
	s24 =	simm.s32 $0x2E60;
	v6 =	vadd.s32 v41, v6;
	v3 =	vbroadcast v3, $0x0;
	v0 =	vadd.s32 v1, v0  }
0x192: {  	v18 =	vld [tilespmem:s24+$0x0];
	v5 =	vadd.s32 v41, v5;
	v6 =	vbroadcast v6, $0x0;
	v2 =	vadd.s32 v1, v2  }
0x193: {  	v39 =	vld.idx.msk [tilespmem:v41+s15+$0x0], $0xffff;
	v8 =	vadd.s32 v41, v8;
	v5 =	vbroadcast v5, $0x0;
	v3 =	vadd.s32 v1, v3  }
0x194: {  	s31 =	sadd.s32 $0xFFFFFFF0, s30;
	v7 =	vmul.u32 $0xA, v7;
	v40 =	vld.idx.msk [tilespmem:v41+s16+$0x0], $0xffff;
	v8 =	vbroadcast v8, $0x0;
	v6 =	vadd.s32 v1, v6  }
0x195: {  	v16 =	vmov s31;
	v5 =	vadd.s32 v1, v5;
	v4 =	vld.idx.msk [tilespmem:v4+s2+$0x0], $0xffff  }
0x196: {  	s28 =	sadd.s32 $0xFFFFFFD0, s30;
	v16 =	vmul.u32 $0xA, v16;
	v7 =	vadd.s32 v41, v7;
	v8 =	vadd.s32 v1, v8;
	v0 =	vld.idx.msk [tilespmem:v0+s2+$0x0], $0xffff  }
0x197: {  	v17 =	vmov s28;
	v7 =	vbroadcast v7, $0x0;
	v2 =	vld.idx.msk [tilespmem:v2+s2+$0x0], $0xffff  }
0x198: {  	s25 =	smul.u32 $0x320, s23;
	v17 =	vmul.u32 $0xA, v17;
	v16 =	vadd.s32 v41, v16;
	v3 =	vld.idx.msk [tilespmem:v3+s2+$0x0], $0xffff  }
0x199: {  	v15 =	vmul.u32 $0xA, v15;
	v16 =	vbroadcast v16, $0x0;
	v7 =	vadd.s32 v1, v7;
	v6 =	vld.idx.msk [tilespmem:v6+s2+$0x0], $0xffff  }
0x19a: {  	v38 =	vmov s25;
	v17 =	vadd.s32 v41, v17;
	v5 =	vld.idx.msk [tilespmem:v5+s2+$0x0], $0xffff  }
0x19b: {  	v15 =	vadd.s32 v41, v15;
	v9 =	vadd.s32 v38, v9;
	v16 =	vadd.s32 v1, v16;
	v8 =	vld.idx.msk [tilespmem:v8+s2+$0x0], $0xffff  }
0x19c: {  	v17 =	vbroadcast v17, $0x0;
	v15 =	vbroadcast v15, $0x0;
	v4 =	vsub.f32 v4, v39  }
0x19d: {  	v19 =	vld [tilespmem:s24+$0xFFFFFFE0];
	v18 =	vadd.s32 v38, v18;
	v0 =	vsub.f32 v0, v39;
	v2 =	vsub.f32 v2, v39  }
0x19e: {  	v17 =	vadd.s32 v1, v17;
	v7 =	vld.idx.msk [tilespmem:v7+s2+$0x0], $0xffff;
	v3 =	vsub.f32 v3, v39;
	v6 =	vsub.f32 v6, v39  }
0x19f: {  	v20 =	vld [tilespmem:s24+$0xFFFFFFF0];
	v4 =	vmul.f32 v4, v40;
	v5 =	vsub.f32 v5, v39;
	v0 =	vmul.f32 v0, v40  }
0x1a0: {  	v21 =	vld.idx.msk [tilespmem:v16+s2+$0x0], $0xffff;
	v8 =	vsub.f32 v8, v39;
	v2 =	vmul.f32 v2, v40;
	v3 =	vmul.f32 v3, v40  }
0x1a1: {  	v15 =	vadd.s32 v1, v15;
	v6 =	vmul.f32 v6, v40;
	v4 =	vtrunc.f32 v4  }
0x1a2: {  	v42 =	vadd.s32 v38, v19;
	v5 =	vmul.f32 v5, v40;
	v8 =	vmul.f32 v8, v40  }
0x1a3: {  	v7 =	vsub.f32 v7, v39;
	v0 =	vtrunc.f32 v0;
	v2 =	vtrunc.f32 v2  }
0x1a4: {  	v12 =	vld [tilespmem:s29+$0xFFFFFFE0];
	v44 =	vadd.s32 v38, v20;
	v3 =	vtrunc.f32 v3;
	v0 =	vcvt.f32.s32 v0  }
0x1a5: {  	v13 =	vld [tilespmem:s29+$0xFFFFFFF0];
	v21 =	vsub.f32 v21, v39;
	v4 =	vcvt.f32.s32 v4;
	v7 =	vmul.f32 v7, v40  }
0x1a6: {  	v14 =	vld [tilespmem:s29+$0x10];
	v6 =	vtrunc.f32 v6;
	v2 =	vcvt.f32.s32 v2;
	vm0 =	vgt.s32 v0, $0x0  }
0x1a7: {  	v3 =	vcvt.f32.s32 v3;
	v5 =	vtrunc.f32 v5;
	v0 =	vnsel vm0, $0x0, v0  }
0x1a8: {  	v8 =	vtrunc.f32 v8;
	v5 =	vcvt.f32.s32 v5;
	v0 =	vmin.u32 v0, $0x31  }
0x1a9: {  	v63 =	vcvt.f32.s32 v6;
	vm11 =	vgt.s32 v4, $0x0;
	v0 =	vshll.u32 v0, $0x4  }
0x1aa: {  	vm12 =	vgt.s32 v5, $0x0;
	v0 =	vadd.s32 v0, v9;
	v9 =	vadd.s32 v38, v12  }
0x1ab: {  	v12 =	vadd.s32 v38, v13;
	v13 =	vadd.s32 v38, v14;
	v14 =	vmov s30  }
0x1ac: {  	v7 =	vtrunc.f32 v7;
	v5 =	vnsel vm12, $0x0, v5;
	v14 =	vmul.u32 $0xA, v14  }
0x1ad: {  	vm10 =	vgt.s32 v2, $0x0;
	vm1 =	vgt.s32 v3, $0x0;
	v5 =	vmin.u32 v5, $0x31  }
0x1ae: {  	v4 =	vnsel vm11, $0x0, v4;
	v5 =	vshll.u32 v5, $0x4;
	v14 =	vadd.s32 v41, v14  }
0x1af: {  	v7 =	vcvt.f32.s32 v7;
	v5 =	vadd.s32 v5, v18;
	v14 =	vbroadcast v14, $0x0  }
0x1b0: {  	vm15 =	vgt.s32 v63, $0x0;
	v2 =	vnsel vm10, $0x0, v2;
	v3 =	vnsel vm1, $0x0, v3  }
0x1b1: {  	v4 =	vmin.u32 v4, $0x31;
	v2 =	vmin.u32 v2, $0x31;
	v18 =	vld [tilespmem:s24+$0x10];
	v23 =	vadd.s32 v1, v14  }
0x1b2: {  	v3 =	vmin.u32 v3, $0x31;
	v2 =	vshll.u32 v2, $0x4;
	[tilespmem:v0+s18+$0x0] =	vst.idx.add.f32.msk $0xffff, v22;
	v0 =	vcvt.f32.s32 v8  }
0x1b3: {  	v19 =	vld.idx.msk [tilespmem:v17+s2+$0x0], $0xffff;
	v4 =	vshll.u32 v4, $0x4;
	v3 =	vshll.u32 v3, $0x4;
	v16 =	vadd.s32 v2, v9  }
0x1b4: {  	vm14 =	vgt.s32 v7, $0x0;
	[tilespmem:v5+s18+$0x0] =	vst.idx.add.f32.msk $0xffff, v22;
	v14 =	vadd.s32 v3, v12;
	vm13 =	vgt.s32 v0, $0x0  }
0x1b5: {  	v20 =	vnsel vm14, $0x0, v7;
	v12 =	vadd.s32 v4, v13;
	v13 =	vld.idx.msk [tilespmem:v15+s2+$0x0], $0xffff;
	v0 =	vnsel vm13, $0x0, v0  }
0x1b6: {  	s25 =	simm.s32 $0x8;
	s26 =	sadd.s32 $0x40, s30;
	v43 =	vadd.s32 v38, v18;
	v18 =	vnsel vm15, $0x0, v63;
	v17 =	vmin.u32 v0, $0x31;
	v15 =	vld.idx.msk [tilespmem:v23+s2+$0x0], $0xffff  }
.LBB2_11:
0x1b7: {  	s28 =	sadd.s32 $0xFFFFFFE0, s26;
	s29 =	sadd.s32 $0xFFFFFFF0, s26;
	v0 =	vmov s26;
	s25 =	sadd.s32 $0x4, s25;
	v2 =	vmul.f32 v21, v40;
	v3 =	vmin.u32 v20, $0x31  }
0x1b8: {  	s30 =	sadd.s32 $0xFFFFFFD0, s26;
	v4 =	vmov s28;
	v5 =	vmov s29;
	v0 =	vmul.u32 $0xA, v0;
	p0 =	slt.u32 s25, $0x1C;
	[tilespmem:v16+s18+$0x0] =	vst.idx.add.f32.msk $0xffff, v22  }
0x1b9: {  	s24 =	sadd.s32 $0x40, s24;
	v6 =	vmov s30;
	v5 =	vmul.u32 $0xA, v5;
	v2 =	vtrunc.f32 v2;
	[tilespmem:v14+s18+$0x0] =	vst.idx.add.f32.msk $0xffff, v22  }
0x1ba: {  	v6 =	vmul.u32 $0xA, v6;
	v4 =	vmul.u32 $0xA, v4;
	v7 =	vld [tilespmem:s24+$0x0];
	v2 =	vcvt.f32.s32 v2  }
0x1bb: {  	v9 =	vsub.f32 v19, v39;
	v0 =	vadd.s32 v41, v0;
	v5 =	vadd.s32 v41, v5;
	v8 =	vld [tilespmem:s24+$0xFFFFFFE0]  }
0x1bc: {  	v6 =	vadd.s32 v41, v6;
	v5 =	vbroadcast v5, $0x0;
	v14 =	vld [tilespmem:s24+$0xFFFFFFF0];
	vm0 =	vgt.s32 v2, $0x0  }
0x1bd: {  	v4 =	vadd.s32 v41, v4;
	v6 =	vbroadcast v6, $0x0;
	v2 =	vnsel vm0, $0x0, v2;
	v16 =	vld [tilespmem:s24+$0x10]  }
0x1be: {  	v4 =	vbroadcast v4, $0x0;
	v5 =	vadd.s32 v1, v5;
	v2 =	vmin.u32 v2, $0x31;
	[tilespmem:v12+s18+$0x0] =	vst.idx.add.f32.msk $0xffff, v22  }
0x1bf: {  	v0 =	vbroadcast v0, $0x0;
	v7 =	vadd.s32 v38, v7;
	v2 =	vshll.u32 v2, $0x4  }
0x1c0: {  	v6 =	vadd.s32 v1, v6;
	v4 =	vadd.s32 v1, v4;
	v2 =	vadd.s32 v2, v7  }
0x1c1: {  	v0 =	vadd.s32 v1, v0;
	v12 =	vsub.f32 v15, v39;
	v7 =	vsub.f32 v13, v39  }
0x1c2: {  	v9 =	vmul.f32 v9, v40;
	v15 =	vshll.u32 v17, $0x4;
	v13 =	vmin.u32 v18, $0x31  }
0x1c3: {  	v3 =	vshll.u32 v3, $0x4;
	v12 =	vmul.f32 v12, v40;
	v7 =	vmul.f32 v7, v40;
	v5 =	vld.idx.msk [tilespmem:v5+s2+$0x0], $0xffff  }
0x1c4: {  	v9 =	vtrunc.f32 v9;
	v8 =	vadd.s32 v38, v8;
	v17 =	vshll.u32 v13, $0x4  }
0x1c5: {  	v18 =	vadd.s32 v38, v14;
	v7 =	vtrunc.f32 v7;
	[tilespmem:v2+s18+$0x0] =	vst.idx.add.f32.msk $0xffff, v22;
	v2 =	vtrunc.f32 v12  }
.Ltmp4:
0x1c6: {  	v7 =	vcvt.f32.s32 v7;
	v19 =	vld.idx.msk [tilespmem:v6+s2+$0x0], $0xffff;
	v6 =	vcvt.f32.s32 v9;
	v9 =	vadd.s32 v38, v16;
	(pc) =	sbr.rel @p0 .LBB2_11-.Ltmp4, $4  }
0x1c7: {  	v14 =	vadd.s32 v3, v44;
	v2 =	vcvt.f32.s32 v2;
	v16 =	vadd.s32 v15, v42;
	v42 =	vmovc v8;
	v13 =	vld.idx.msk [tilespmem:v4+s2+$0x0], $0xffff  }
0x1c8: {  	v44 =	vmovc v18;
	v12 =	vadd.s32 v17, v43;
	vm1 =	vgt.s32 v7, $0x0;
	v43 =	vmovc v9;
	v15 =	vld.idx.msk [tilespmem:v0+s2+$0x0], $0xffff;
	vm0 =	vgt.s32 v6, $0x0  }
0x1c9: {  	v21 =	vsub.f32 v5, v39;
	v0 =	vnsel vm0, $0x0, v6;
	vm0 =	vgt.s32 v2, $0x0  }
0x1ca: {  	s26 =	sadd.s32 $0x40, s26;
	v20 =	vnsel vm1, $0x0, v7;
	v17 =	vmin.u32 v0, $0x31;
	v18 =	vnsel vm0, $0x0, v2  }
0x1cb: {  	v0 =	vmul.f32 v21, v40  }
0x1cc: {  	v4 =	vsub.f32 v19, v39;
	v6 =	vmin.u32 v20, $0x31;
	v8 =	vshll.u32 v17, $0x4  }
0x1cd: {  	s24 =	sadd.s32 $0x40, s24;
	v9 =	vmin.u32 v18, $0x31;
	v5 =	vsub.f32 v13, v39;
	v0 =	vtrunc.f32 v0  }
0x1ce: {  	v2 =	vld [tilespmem:s24+$0x0];
	v6 =	vshll.u32 v6, $0x4;
	v9 =	vshll.u32 v9, $0x4;
	v0 =	vcvt.f32.s32 v0  }
0x1cf: {  	v8 =	vadd.s32 v8, v42;
	v7 =	vsub.f32 v15, v39;
	v4 =	vmul.f32 v4, v40  }
0x1d0: {  	v3 =	vld [tilespmem:s24+$0xFFFFFFE0];
	v6 =	vadd.s32 v6, v44;
	v5 =	vmul.f32 v5, v40;
	vm0 =	vgt.s32 v0, $0x0  }
0x1d1: {  	v7 =	vmul.f32 v7, v40;
	v4 =	vtrunc.f32 v4;
	v0 =	vnsel vm0, $0x0, v0  }
0x1d2: {  	v5 =	vtrunc.f32 v5;
	v4 =	vcvt.f32.s32 v4;
	v0 =	vmin.u32 v0, $0x31  }
0x1d3: {  	v2 =	vadd.s32 v38, v2;
	v7 =	vtrunc.f32 v7;
	v0 =	vshll.u32 v0, $0x4  }
0x1d4: {  	v5 =	vcvt.f32.s32 v5;
	v7 =	vcvt.f32.s32 v7;
	v0 =	vadd.s32 v0, v2;
	v2 =	vld [tilespmem:s24+$0xFFFFFFF0]  }
0x1d5: {  	v62 =	vld [tilespmem:s24+$0x10];
	v9 =	vadd.s32 v9, v43;
	v3 =	vadd.s32 v38, v3;
	vm14 =	vgt.s32 v4, $0x0  }
0x1d6: {  	vm1 =	vgt.s32 v5, $0x0;
	v4 =	vnsel vm14, $0x0, v4;
	vm15 =	vgt.s32 v7, $0x0  }
0x1d7: {  	[tilespmem:v16+s18+$0x0] =	vst.idx.add.f32.msk $0xffff, v22;
	v4 =	vmin.u32 v4, $0x31;
	v5 =	vnsel vm1, $0x0, v5;
	v7 =	vnsel vm15, $0x0, v7  }
0x1d8: {  	[tilespmem:v14+s18+$0x0] =	vst.idx.add.f32.msk $0xffff, v22;
	v5 =	vmin.u32 v5, $0x31;
	v4 =	vshll.u32 v4, $0x4;
	v7 =	vmin.u32 v7, $0x31  }
0x1d9: {  	[tilespmem:v12+s18+$0x0] =	vst.idx.add.f32.msk $0xffff, v22;
	v5 =	vshll.u32 v5, $0x4;
	v3 =	vadd.s32 v4, v3;
	v2 =	vadd.s32 v38, v2  }
0x1da: {  	s23 =	sadd.s32 $0x1, s23;
	v63 =	vshll.u32 v7, $0x4;
	[tilespmem:v0+s18+$0x0] =	vst.idx.add.f32.msk $0xffff, v22;
	v0 =	vadd.s32 v38, v62;
	v2 =	vadd.s32 v5, v2  }
0x1db: {  	p0 =	sne.s32 s23, $0xA;
	[tilespmem:v8+s18+$0x0] =	vst.idx.add.f32.msk $0xffff, v22;
	v0 =	vadd.s32 v63, v0  }
.Ltmp5:
0x1dc: {  	[tilespmem:v6+s18+$0x0] =	vst.idx.add.f32.msk $0xffff, v22;
	(pc) =	sbr.rel @p0 .LBB2_10-.Ltmp5, $4  }
0x1dd: {  	[tilespmem:v9+s18+$0x0] =	vst.idx.add.f32.msk $0xffff, v22  }
0x1de: {  	[tilespmem:v3+s18+$0x0] =	vst.idx.add.f32.msk $0xffff, v22  }
0x1df: {  	[tilespmem:v2+s18+$0x0] =	vst.idx.add.f32.msk $0xffff, v22  }
0x1e0: {  	[tilespmem:v0+s18+$0x0] =	vst.idx.add.f32.msk $0xffff, v22  }
0x1e1: {  	s23 =	simm.s32 $0x100  }
0x1e2: {  	s24 =	simm.s32 $0x0;
	v3 =	vor.u32 s23, v10  }
0x1e3: {  	v4 =	vor.u32 s24, v10  }
0x1e4: {  	v5 =	vor.u32 s23, v11  }
0x1e5: {  	v43 =	vld [tilespmem:$0x1FF10];
	v6 =	vor.u32 s24, v11  }
0x1e6: {  	v44 =	vld [tilespmem:$0x1FF20];
	v13 =	vor.u32 s23, v45  }
0x1e7: {  	v14 =	vor.u32 s24, v45;
	v3 =	vld.idx.msk [tilespmem:v3+s18+$0x0], $0xffff  }
0x1e8: {  	v15 =	vor.u32 s23, v46;
	v4 =	vld.idx.msk [tilespmem:v4+s18+$0x0], $0xffff  }
0x1e9: {  	v16 =	vor.u32 s24, v46;
	v5 =	vld.idx.msk [tilespmem:v5+s18+$0x0], $0xffff  }
0x1ea: {  	v17 =	vor.u32 s23, v47;
	v6 =	vld.idx.msk [tilespmem:v6+s18+$0x0], $0xffff  }
0x1eb: {  	v18 =	vor.u32 s24, v47;
	v13 =	vld.idx.msk [tilespmem:v13+s18+$0x0], $0xffff  }
0x1ec: {  	v19 =	vor.u32 s23, v48;
	v14 =	vld.idx.msk [tilespmem:v14+s18+$0x0], $0xffff  }
0x1ed: {  	v20 =	vor.u32 s24, v48;
	v15 =	vld.idx.msk [tilespmem:v15+s18+$0x0], $0xffff  }
0x1ee: {  	v21 =	vor.u32 s23, v49;
	v16 =	vld.idx.msk [tilespmem:v16+s18+$0x0], $0xffff  }
0x1ef: {  	v23 =	vor.u32 s24, v49;
	v17 =	vld.idx.msk [tilespmem:v17+s18+$0x0], $0xffff  }
0x1f0: {  	v57 =	vor.u32 s23, v50;
	v18 =	vld.idx.msk [tilespmem:v18+s18+$0x0], $0xffff  }
0x1f1: {  	v38 =	vmul.u32 $0x11, v24;
	v25 =	vor.u32 s24, v50;
	v19 =	vld.idx.msk [tilespmem:v19+s18+$0x0], $0xffff  }
0x1f2: {  	v26 =	vor.u32 s23, v51;
	v20 =	vld.idx.msk [tilespmem:v20+s18+$0x0], $0xffff  }
0x1f3: {  	v0 =	vor.u32 s23, v38;
	v21 =	vld.idx.msk [tilespmem:v21+s18+$0x0], $0xffff  }
0x1f4: {  	v2 =	vor.u32 s24, v38;
	v23 =	vld.idx.msk [tilespmem:v23+s18+$0x0], $0xffff  }
0x1f5: {  	v27 =	vor.u32 s24, v51;
	v24 =	vld.idx.msk [tilespmem:v57+s18+$0x0], $0xffff  }
0x1f6: {  	v28 =	vor.u32 s23, v52;
	v25 =	vld.idx.msk [tilespmem:v25+s18+$0x0], $0xffff  }
0x1f7: {  	v30 =	vor.u32 s23, v53;
	v26 =	vld.idx.msk [tilespmem:v26+s18+$0x0], $0xffff  }
0x1f8: {  	v31 =	vor.u32 s24, v53;
	v0 =	vld.idx.msk [tilespmem:v0+s18+$0x0], $0xffff  }
0x1f9: {  	v7 =	vor.u32 s23, v43;
	v2 =	vld.idx.msk [tilespmem:v2+s18+$0x0], $0xffff  }
0x1fa: {  	v8 =	vor.u32 s24, v43;
	v27 =	vld.idx.msk [tilespmem:v27+s18+$0x0], $0xffff  }
0x1fb: {  	v9 =	vor.u32 s23, v44;
	v28 =	vld.idx.msk [tilespmem:v28+s18+$0x0], $0xffff  }
0x1fc: {  	v12 =	vor.u32 s24, v44;
	v30 =	vld.idx.msk [tilespmem:v30+s18+$0x0], $0xffff  }
0x1fd: {  	v32 =	vor.u32 s23, v54;
	v61 =	vld.idx.msk [tilespmem:v31+s18+$0x0], $0xffff  }
0x1fe: {  	v29 =	vor.u32 s24, v52;
	v7 =	vld.idx.msk [tilespmem:v7+s18+$0x0], $0xffff;
	v0 =	vadd.f32 $0.0e+00, v0;
	v2 =	vadd.f32 $0.0e+00, v2  }
0x1ff: {  	v58 =	vor.u32 s23, v55;
	s23 =	simm.s32 $0x300;
	v8 =	vld.idx.msk [tilespmem:v8+s18+$0x0], $0xffff  }
0x200: {  	v60 =	vor.u32 s23, v38;
	v9 =	vld.idx.msk [tilespmem:v9+s18+$0x0], $0xffff;
	v0 =	vadd.f32 v3, v0;
	v2 =	vadd.f32 v4, v2  }
0x201: {  	v33 =	vor.u32 s24, v54;
	v12 =	vld.idx.msk [tilespmem:v12+s18+$0x0], $0xffff  }
0x202: {  	s25 =	simm.s32 $0x200;
	v32 =	vld.idx.msk [tilespmem:v32+s18+$0x0], $0xffff;
	v63 =	vor.u32 s23, v10;
	v0 =	vadd.f32 v5, v0;
	v2 =	vadd.f32 v6, v2  }
0x203: {  	v62 =	vor.u32 s25, v38;
	v3 =	vld.idx.msk [tilespmem:v29+s18+$0x0], $0xffff  }
0x204: {  	v59 =	vor.u32 s24, v55;
	v4 =	vld.idx.msk [tilespmem:v58+s18+$0x0], $0xffff;
	v0 =	vadd.f32 v7, v0;
	v2 =	vadd.f32 v8, v2  }
0x205: {  	v39 =	vor.u32 s25, v10;
	v5 =	vld.idx.msk [tilespmem:v60+s18+$0x0], $0xffff  }
0x206: {  	v8 =	vld.idx.msk [tilespmem:v33+s18+$0x0], $0xffff;
	v0 =	vadd.f32 v9, v0;
	v2 =	vadd.f32 v12, v2;
	v9 =	vor.u32 s23, v11  }
0x207: {  	v40 =	vor.u32 s25, v11;
	v7 =	vld.idx.msk [tilespmem:v63+s18+$0x0], $0xffff  }
0x208: {  	v0 =	vadd.f32 v13, v0;
	v2 =	vadd.f32 v14, v2;
	v13 =	vld.idx.msk [tilespmem:v62+s18+$0x0], $0xffff;
	v14 =	vor.u32 s23, v43  }
0x209: {  	v41 =	vor.u32 s25, v43;
	v12 =	vld.idx.msk [tilespmem:v59+s18+$0x0], $0xffff  }
0x20a: {  	v0 =	vadd.f32 v15, v0;
	v2 =	vadd.f32 v16, v2;
	v15 =	vld.idx.msk [tilespmem:v39+s18+$0x0], $0xffff;
	v16 =	vor.u32 s23, v44  }
0x20b: {  	v42 =	vor.u32 s25, v44;
	v9 =	vld.idx.msk [tilespmem:v9+s18+$0x0], $0xffff  }
0x20c: {  	v0 =	vadd.f32 v17, v0;
	v2 =	vadd.f32 v18, v2;
	v17 =	vld.idx.msk [tilespmem:v40+s18+$0x0], $0xffff;
	v18 =	vor.u32 s23, v45  }
0x20d: {  	v56 =	vor.u32 s25, v45;
	v5 =	vadd.f32 $0.0e+00, v5;
	v14 =	vld.idx.msk [tilespmem:v14+s18+$0x0], $0xffff;
	v13 =	vadd.f32 $0.0e+00, v13  }
0x20e: {  	v57 =	vor.u32 s25, v46;
	v0 =	vadd.f32 v19, v0;
	v2 =	vadd.f32 v20, v2;
	v19 =	vld.idx.msk [tilespmem:v41+s18+$0x0], $0xffff  }
0x20f: {  	v5 =	vadd.f32 v7, v5;
	v20 =	vor.u32 s23, v46;
	v16 =	vld.idx.msk [tilespmem:v16+s18+$0x0], $0xffff;
	v13 =	vadd.f32 v15, v13  }
0x210: {  	v0 =	vadd.f32 v21, v0;
	v2 =	vadd.f32 v23, v2;
	v21 =	vld.idx.msk [tilespmem:v42+s18+$0x0], $0xffff;
	v23 =	vor.u32 s23, v47  }
0x211: {  	v15 =	vor.u32 s25, v47;
	v5 =	vadd.f32 v9, v5;
	v9 =	vld.idx.msk [tilespmem:v18+s18+$0x0], $0xffff;
	v13 =	vadd.f32 v17, v13  }
0x212: {  	v59 =	vor.u32 s25, v48;
	v18 =	vld.idx.msk [tilespmem:v56+s18+$0x0], $0xffff;
	v0 =	vadd.f32 v24, v0;
	v2 =	vadd.f32 v25, v2  }
0x213: {  	v58 =	vor.u32 s23, v48;
	v7 =	vld.idx.msk [tilespmem:v57+s18+$0x0], $0xffff;
	v5 =	vadd.f32 v14, v5;
	v13 =	vadd.f32 v19, v13  }
0x214: {  	v17 =	vor.u32 s23, v49;
	v14 =	vld.idx.msk [tilespmem:v20+s18+$0x0], $0xffff;
	v0 =	vadd.f32 v26, v0;
	v2 =	vadd.f32 v27, v2  }
0x215: {  	v20 =	vor.u32 s25, v49;
	v5 =	vadd.f32 v16, v5;
	v16 =	vld.idx.msk [tilespmem:v23+s18+$0x0], $0xffff;
	v13 =	vadd.f32 v21, v13  }
0x216: {  	v0 =	vadd.f32 v28, v0;
	v2 =	vadd.f32 v3, v2;
	v3 =	vld.idx.msk [tilespmem:v15+s18+$0x0], $0xffff;
	v15 =	vor.u32 s23, v50  }
0x217: {  	v60 =	vld.idx.msk [tilespmem:v59+s18+$0x0], $0xffff;
	v23 =	vor.u32 s25, v50;
	v5 =	vadd.f32 v9, v5;
	v13 =	vadd.f32 v18, v13  }
0x218: {  	v21 =	vor.u32 s23, v51;
	v9 =	vld.idx.msk [tilespmem:v58+s18+$0x0], $0xffff;
	v0 =	vadd.f32 v30, v0;
	v2 =	vadd.f32 v61, v2  }
0x219: {  	v62 =	vld.idx.msk [tilespmem:v17+s18+$0x0], $0xffff;
	v61 =	vor.u32 s25, v51;
	v5 =	vadd.f32 v14, v5;
	v7 =	vadd.f32 v7, v13  }
0x21a: {  	v18 =	vld.idx.msk [tilespmem:v20+s18+$0x0], $0xffff;
	v0 =	vadd.f32 v32, v0;
	v2 =	vadd.f32 v8, v2;
	v8 =	vor.u32 s23, v52  }
0x21b: {  	v5 =	vadd.f32 v16, v5;
	v19 =	vld.idx.msk [tilespmem:v15+s18+$0x0], $0xffff;
	v15 =	vor.u32 s25, v52  }
0x21c: {  	v40 =	vor.u32 s23, v53;
	v17 =	vld.idx.msk [tilespmem:v23+s18+$0x0], $0xffff;
	v3 =	vadd.f32 v3, v7;
	v0 =	vadd.f32 v4, v0  }
0x21d: {  	s24 =	simm.s32 $0x8690;
	v14 =	vor.u32 s25, v53;
	v20 =	vld.idx.msk [tilespmem:v21+s18+$0x0], $0xffff;
	v2 =	vadd.f32 v12, v2;
	v63 =	vadd.f32 v9, v5  }
0x21e: {  	v39 =	vor.u32 s23, v54;
	v16 =	vld.idx.msk [tilespmem:v61+s18+$0x0], $0xffff;
	v42 =	vadd.f32 v60, v3;
	[tilespmem:s24+$0x0] =	vst v0  }
0x21f: {  	v13 =	vor.u32 s25, v54;
	v12 =	vor.u32 s25, v55;
	s25 =	simm.s32 $0x2;
	[tilespmem:s24+$0xFFFFFFF0] =	vst v2;
	v41 =	vadd.f32 v62, v63;
	v21 =	vld.idx.msk [tilespmem:v8+s18+$0x0], $0xffff  }
.LBB2_14:
0x220: {  	s25 =	sadd.s32 $0x2, s25;
	v0 =	vadd.f32 v18, v42;
	v2 =	vld.idx.msk [tilespmem:v15+s18+$0x0], $0xffff;
	v3 =	vor.u32 s23, v55  }
0x221: {  	s23 =	sadd.s32 $0x200, s23;
	p0 =	slt.u32 s25, $0x3E;
	v4 =	vadd.f32 v19, v41;
	v5 =	vld.idx.msk [tilespmem:v40+s18+$0x0], $0xffff  }
0x222: {  	s26 =	sadd.s32 $0xFFFFFF00, s23;
	v6 =	vor.u32 s23, v38;
	v0 =	vadd.f32 v17, v0;
	v7 =	vld.idx.msk [tilespmem:v14+s18+$0x0], $0xffff  }
0x223: {  	v8 =	vor.u32 s26, v38;
	v9 =	vor.u32 s26, v10;
	v4 =	vadd.f32 v20, v4;
	v17 =	vld.idx.msk [tilespmem:v39+s18+$0x0], $0xffff  }
0x224: {  	v18 =	vor.u32 s26, v11;
	v19 =	vor.u32 s26, v43;
	v20 =	vor.u32 s23, v10;
	v23 =	vld.idx.msk [tilespmem:v13+s18+$0x0], $0xffff  }
0x225: {  	v24 =	vor.u32 s26, v44;
	v25 =	vor.u32 s26, v45;
	v4 =	vadd.f32 v21, v4;
	v3 =	vld.idx.msk [tilespmem:v3+s18+$0x0], $0xffff  }
0x226: {  	v27 =	vor.u32 s23, v11;
	v26 =	vor.u32 s26, v47;
	v21 =	vor.u32 s26, v46;
	v28 =	vld.idx.msk [tilespmem:v12+s18+$0x0], $0xffff  }
0x227: {  	v29 =	vor.u32 s26, v48;
	v30 =	vor.u32 s26, v49;
	v6 =	vld.idx.msk [tilespmem:v6+s18+$0x0], $0xffff;
	v4 =	vadd.f32 v5, v4  }
0x228: {  	v32 =	vor.u32 s23, v43;
	v31 =	vor.u32 s26, v51;
	v5 =	vld.idx.msk [tilespmem:v8+s18+$0x0], $0xffff;
	v8 =	vor.u32 s26, v50  }
0x229: {  	v15 =	vor.u32 s26, v52;
	v14 =	vor.u32 s26, v53;
	v20 =	vld.idx.msk [tilespmem:v20+s18+$0x0], $0xffff;
	v4 =	vadd.f32 v17, v4  }
0x22a: {  	v13 =	vor.u32 s26, v54;
	v0 =	vadd.f32 v16, v0;
	v17 =	vor.u32 s23, v44;
	v9 =	vld.idx.msk [tilespmem:v9+s18+$0x0], $0xffff  }
0x22b: {  	v12 =	vor.u32 s26, v55;
	v16 =	vld.idx.msk [tilespmem:v27+s18+$0x0], $0xffff;
	v3 =	vadd.f32 v3, v4  }
0x22c: {  	s24 =	sadd.s32 $0x20, s24;
	v0 =	vadd.f32 v2, v0;
	v4 =	vld.idx.msk [tilespmem:v18+s18+$0x0], $0xffff;
	v18 =	vor.u32 s23, v45  }
0x22d: {  	v2 =	vadd.f32 $0.0e+00, v6;
	v6 =	vld.idx.msk [tilespmem:v32+s18+$0x0], $0xffff;
	[tilespmem:s24+$0x0] =	vst v3  }
0x22e: {  	v0 =	vadd.f32 v7, v0;
	v3 =	vadd.f32 $0.0e+00, v5;
	v5 =	vld.idx.msk [tilespmem:v19+s18+$0x0], $0xffff;
	v19 =	vor.u32 s23, v46  }
0x22f: {  	v2 =	vadd.f32 v20, v2;
	v7 =	vld.idx.msk [tilespmem:v17+s18+$0x0], $0xffff  }
0x230: {  	v0 =	vadd.f32 v23, v0;
	v3 =	vadd.f32 v9, v3;
	v17 =	vor.u32 s23, v47;
	v9 =	vld.idx.msk [tilespmem:v24+s18+$0x0], $0xffff  }
0x231: {  	v2 =	vadd.f32 v16, v2;
	v16 =	vld.idx.msk [tilespmem:v18+s18+$0x0], $0xffff  }
0x232: {  	v0 =	vadd.f32 v28, v0;
	v3 =	vadd.f32 v4, v3;
	v18 =	vor.u32 s23, v48;
	v4 =	vld.idx.msk [tilespmem:v25+s18+$0x0], $0xffff  }
0x233: {  	v2 =	vadd.f32 v6, v2;
	v6 =	vld.idx.msk [tilespmem:v19+s18+$0x0], $0xffff  }
0x234: {  	v3 =	vadd.f32 v5, v3;
	v19 =	vor.u32 s23, v49;
	v5 =	vld.idx.msk [tilespmem:v21+s18+$0x0], $0xffff;
	[tilespmem:s24+$0xFFFFFFF0] =	vst v0  }
0x235: {  	v0 =	vadd.f32 v7, v2;
	v2 =	vld.idx.msk [tilespmem:v17+s18+$0x0], $0xffff  }
0x236: {  	v3 =	vadd.f32 v9, v3;
	v9 =	vor.u32 s23, v50;
	v7 =	vld.idx.msk [tilespmem:v26+s18+$0x0], $0xffff  }
0x237: {  	v0 =	vadd.f32 v16, v0;
	v16 =	vld.idx.msk [tilespmem:v18+s18+$0x0], $0xffff  }
0x238: {  	v20 =	vor.u32 s23, v51;
	v3 =	vadd.f32 v4, v3;
	v4 =	vld.idx.msk [tilespmem:v29+s18+$0x0], $0xffff  }
0x239: {  	v0 =	vadd.f32 v6, v0;
	v6 =	vld.idx.msk [tilespmem:v19+s18+$0x0], $0xffff  }
0x23a: {  	v3 =	vadd.f32 v5, v3;
	v5 =	vor.u32 s23, v52;
	v18 =	vld.idx.msk [tilespmem:v30+s18+$0x0], $0xffff  }
.Ltmp6:
0x23b: {  	v0 =	vadd.f32 v2, v0;
	v19 =	vld.idx.msk [tilespmem:v9+s18+$0x0], $0xffff;
	(pc) =	sbr.rel @p0 .LBB2_14-.Ltmp6, $4  }
0x23c: {  	v40 =	vor.u32 s23, v53;
	v2 =	vadd.f32 v7, v3;
	v17 =	vld.idx.msk [tilespmem:v8+s18+$0x0], $0xffff  }
0x23d: {  	v0 =	vadd.f32 v16, v0;
	v20 =	vld.idx.msk [tilespmem:v20+s18+$0x0], $0xffff  }
0x23e: {  	v39 =	vor.u32 s23, v54;
	v42 =	vadd.f32 v4, v2;
	v16 =	vld.idx.msk [tilespmem:v31+s18+$0x0], $0xffff  }
0x23f: {  	v41 =	vadd.f32 v6, v0;
	v21 =	vld.idx.msk [tilespmem:v5+s18+$0x0], $0xffff  }
0x240: {  	_ =	sdelay $0x2  }
0x241: {  	v0 =	vadd.f32 v18, v42  }
0x242: {  	v2 =	vld.idx.msk [tilespmem:v15+s18+$0x0], $0xffff;
	v3 =	vor.u32 s23, v55;
	v4 =	vadd.f32 v19, v41  }
0x243: {  	v5 =	vld.idx.msk [tilespmem:v40+s18+$0x0], $0xffff;
	v0 =	vadd.f32 v17, v0  }
0x244: {  	v6 =	vld.idx.msk [tilespmem:v14+s18+$0x0], $0xffff;
	v4 =	vadd.f32 v20, v4  }
0x245: {  	v7 =	vld.idx.msk [tilespmem:v39+s18+$0x0], $0xffff;
	v0 =	vadd.f32 v16, v0  }
0x246: {  	v8 =	vld.idx.msk [tilespmem:v13+s18+$0x0], $0xffff;
	v4 =	vadd.f32 v21, v4  }
0x247: {  	v3 =	vld.idx.msk [tilespmem:v3+s18+$0x0], $0xffff;
	v0 =	vadd.f32 v2, v0  }
0x248: {  	v2 =	vld.idx.msk [tilespmem:v12+s18+$0x0], $0xffff;
	v4 =	vadd.f32 v5, v4  }
0x249: {  	v0 =	vadd.f32 v6, v0  }
0x24a: {  	v4 =	vadd.f32 v7, v4  }
0x24b: {  	v0 =	vadd.f32 v8, v0  }
0x24c: {  	v3 =	vadd.f32 v3, v4  }
0x24d: {  	s31 =	sadd.s32 $0x20, s24;
	v0 =	vadd.f32 v2, v0  }
0x24e: {  	[tilespmem:s31+$0x0] =	vst v3  }
0x24f: {  	s22 =	sadd.s32 $0x1, s22;
	[tilespmem:s31+$0xFFFFFFF0] =	vst v0  }
0x250: {  	[hbm4b:s7+s19] =	stream.strided.scatter [tilespmem:s21], [sflag:$0x3], $0x400, s20, s19, $0x38;
	[tilespmem:$0x8BC0] =	vst v63  }
0x251: {  	p0 =	sne.s32 s22, s8;
	_ =	swait.ge [sflag:s13], $0x400  }
.Ltmp7:
0x252: {  	v3 =	vld [tilespmem:$0x1FEA0];
	(pc) =	sbr.rel @p0 .LBB2_1-.Ltmp7, $4  }
0x253: {  	v4 =	vld [tilespmem:$0x1FEB0]  }
0x254: {  	v5 =	vld [tilespmem:$0x1FEC0]  }
0x255: {  	[sflag:s13] =	ssyncset.done $0x0;
	v6 =	vld [tilespmem:$0x1FED0]  }
0x256: {  	v2 =	vmov v34;
	v0 =	vimm.f32 $0.0e+00;
	v7 =	vld [tilespmem:$0x1FEE0];
	[sflag:s13] =	ssyncadd.s32 $0xFFFFFC00  }
0x257: {  	_ =	sfence.sel $0x180000  }
0x258: {  	[bflag:$0x0] =	sbarrier.arrive $0xFFFF  }
0x259: {  	p0 =	sne.s32 s0, $0x0;
	_ =	strace $0x90000047  }
0x25a: {  	s0 =	sadd.s32 @!p0 $0x100000, s3;
	[bflag:$0x2] =	sbarrier.arrive $0xFFFF  }
0x25b: {  	[sflag:s0] =	ssyncadd.tile.s32 @!p0 $0x1;
	_ =	shalt  }
.Lfunc_end2:
_tile_overlayer_lowered:
.L_overlay_start_2:
0x25c: {  	(tag) =	ssettag $0x2  }
0x25d: {  	s0 =	rddreg [dreg:$0x0];
	s2 =	stileid.u32  }
0x25e: {  	s1 =	rddreg [dreg:$0x1];
	p0 =	sne.s32 s2, $0x0  }
0x25f: {  	s3 =	rddreg [dreg:$0x2];
	[bflag:$0x3] =	sbarrier.arrive $0xFFFF;
	s2 =	simm.s32 @!p0 $0x1C03  }
0x260: {  	[timem:s3], [sflag:s2] =	dma.local @!p0 [hbm:s0], s1  }
0x261: {  	s0 =	simm.s32 @!p0 $0x3  }
0x262: {  	_ =	swait.ge @!p0 [sflag:s0], s1  }
0x263: {  	s1 =	ssub.s32 @!p0 $0x0, s1;
	[sflag:s0] =	ssyncset.done @!p0 $0x0  }
0x264: {  	[sflag:s0] =	ssyncadd.s32 @!p0 s1  }
0x265: {  	[bflag:$0x3] =	sbarrier.arrive $0xFFFF  }
0x266: {  	_ =	shalt  }

</sc_bundles>
